<compile_context>
chip_gen: v7x
topology: tpu7x:2x2x1
jax: 0.10.2.dev20260603
libtpu: 0.0.44.dev20260713+nightly
codegen_flags: <defaults>
</compile_context>

<pallas_src>
import functools

import jax
import jax.numpy as jnp
from jax import lax
from jax.experimental import pallas as pl
from jax.experimental.pallas import tpu as pltpu
from jax.experimental.pallas import tpu_sc as plsc

B = 16384
H = 64
V = 100000

_info = plsc.get_sparse_core_info()
NC = _info.num_cores
NS = _info.num_subcores
NW = NC * NS
BPW = B // NW
CH = 128
NCHUNK = BPW // CH
NBUF = 2

_mesh = plsc.VectorSubcoreMesh(core_axis_name="c", subcore_axis_name="s")


_CC_R = 8192


def _bf16_bits(x):
    return lax.bitcast_convert_type(
        x.astype(jnp.bfloat16), jnp.uint16).astype(jnp.uint32)


def _cc_body(at, bt, ct, dt, out):
    lo = jnp.concatenate(
        [jnp.transpose(at[...]), jnp.transpose(bt[...])], axis=1)
    hi = jnp.concatenate(
        [jnp.transpose(ct[...]), jnp.transpose(dt[...])], axis=1)
    out[...] = lax.bitcast_convert_type(
        _bf16_bits(lo) | (_bf16_bits(hi) << 16), jnp.int32)


def _tc_concat(at, bt, ct, dt):
    ispec = pl.BlockSpec((H, _CC_R), lambda i: (0, i))
    return pl.pallas_call(
        _cc_body,
        grid=(pl.cdiv(V, _CC_R),),
        in_specs=[ispec, ispec, ispec, ispec],
        out_specs=pl.BlockSpec((_CC_R, 2 * H), lambda i: (i, 0)),
        out_shape=jax.ShapeDtypeStruct((V, 2 * H), jnp.int32),
    )(at, bt, ct, dt)


@functools.partial(
    pl.kernel,
    mesh=_mesh,
    out_type=[
        jax.ShapeDtypeStruct((B, 2 * H), jnp.int32),
        jax.ShapeDtypeStruct((B, 2 * H), jnp.int32),
    ],
    scratch_types=[
        pltpu.VMEM((BPW,), jnp.int32),
        pltpu.VMEM((BPW,), jnp.int32),
        pltpu.VMEM((NBUF, CH, 2 * H), jnp.int32),
        pltpu.VMEM((NBUF, CH, 2 * H), jnp.int32),
        pltpu.SemaphoreType.DMA,
        pltpu.SemaphoreType.DMA,
    ],
)
def _sc_gather(cids, eids, cat, outc, oute, idc, ide, bufc, bufe, sem0, sem1):
    wid = lax.axis_index("s") * NC + lax.axis_index("c")
    base = wid * BPW
    pltpu.sync_copy(cids.at[pl.ds(base, BPW)], idc)
    pltpu.sync_copy(eids.at[pl.ds(base, BPW)], ide)
    sems = (sem0, sem1)

    def issue(k):
        s = sems[k % NBUF]
        islc = pl.ds(k * CH, CH)
        return (
            pltpu.async_copy(cat.at[idc.at[islc]], bufc.at[k % NBUF], s),
            pltpu.async_copy(cat.at[ide.at[islc]], bufe.at[k % NBUF], s),
        )

    pending = {k: issue(k) for k in range(min(NBUF, NCHUNK))}
    for k in range(NCHUNK):
        ca, ce = pending.pop(k)
        ca.wait()
        ce.wait()
        off = base + k * CH
        pltpu.sync_copy(bufc.at[k % NBUF], outc.at[pl.ds(off, CH)])
        pltpu.sync_copy(bufe.at[k % NBUF], oute.at[pl.ds(off, CH)])
        if k + NBUF < NCHUNK:
            pending[k + NBUF] = issue(k + NBUF)


_TC_BLK = 4096


def _tc_body(outc, oute, w1e, w1c, b1, wmf, wmlp, cb, out):
    wc = lax.bitcast_convert_type(outc[...], jnp.uint32)
    we = lax.bitcast_convert_type(oute[...], jnp.uint32)
    c_rows = lax.bitcast_convert_type(
        (wc & jnp.uint32(0xFFFF)).astype(jnp.uint16), jnp.bfloat16
    ).astype(jnp.float32)
    e_rows = lax.bitcast_convert_type(
        (we >> jnp.uint32(16)).astype(jnp.uint16), jnp.bfloat16
    ).astype(jnp.float32)
    mfp = c_rows[:, :H] * e_rows[:, :H]
    mc = c_rows[:, H:]
    me = e_rows[:, H:]
    h = jnp.dot(me, w1e[...], preferred_element_type=jnp.float32)
    h = h + jnp.dot(mc, w1c[...], preferred_element_type=jnp.float32)
    h = jnp.maximum(h + b1[...], 0.0)
    z = (jnp.dot(mfp, wmf[...], preferred_element_type=jnp.float32)
         + jnp.dot(h, wmlp[...], preferred_element_type=jnp.float32)
         + cb[0, 0])
    out[...] = jax.nn.sigmoid(z)


def _tc_head(outc, oute, w1e, w1c, b1, wmf, wmlp, cb):
    grid = (B // _TC_BLK,)
    return pl.pallas_call(
        _tc_body,
        grid=grid,
        in_specs=[
            pl.BlockSpec((_TC_BLK, 2 * H), lambda i: (i, 0)),
            pl.BlockSpec((_TC_BLK, 2 * H), lambda i: (i, 0)),
            pl.BlockSpec((H, H), lambda i: (0, 0)),
            pl.BlockSpec((H, H), lambda i: (0, 0)),
            pl.BlockSpec((1, H), lambda i: (0, 0)),
            pl.BlockSpec((H, 1), lambda i: (0, 0)),
            pl.BlockSpec((H, 1), lambda i: (0, 0)),
            pl.BlockSpec((1, 1), lambda i: (0, 0)),
        ],
        out_specs=pl.BlockSpec((_TC_BLK, 1), lambda i: (i, 0)),
        out_shape=jax.ShapeDtypeStruct((B, 1), jnp.float32),
    )(outc, oute, w1e, w1c, b1, wmf, wmlp, cb)


def kernel(compound_ids, enzyme_ids, mf_c, mf_e, mlp_c, mlp_e,
           fc1_w, fc1_b, ce_w, ce_b):
    cids = compound_ids.astype(jnp.int32)
    eids = enzyme_ids.astype(jnp.int32)
    cat = _tc_concat(mf_c.T, mlp_c.T, mf_e.T, mlp_e.T)
    outc, oute = _sc_gather(cids, eids, cat)
    w1e = fc1_w[:, :H].T
    w1c = fc1_w[:, H:].T
    b1 = fc1_b.reshape(1, H)
    wmf = ce_w[:, :H].T
    wmlp = ce_w[:, H:].T
    cb = ce_b.reshape(1, 1)
    return _tc_head(outc, oute, w1e, w1c, b1, wmf, wmlp, cb)

# --- scband reference (transcript-rebuilt; emitter-appended) ---
"""Pipeline reference for scband-recommender-25915832664227 (READ-ONLY COPY).

The authoritative reference and input builder live on the scoring server;
editing this copy changes nothing except your own understanding.
"""

import jax, jax.numpy as jnp
import numpy as np

NUM_COMPOUND = 100000
NUM_ENZYME = 100000
HIDDEN = 64
BATCH = 16384


def setup_inputs(seed: int = 0) -> dict:
    key = jax.random.key(seed)
    ks = jax.random.split(key, 12)
    compound_ids = jax.random.randint(ks[0], (BATCH,), 0, NUM_COMPOUND, dtype=jnp.int64 if jax.config.jax_enable_x64 else jnp.int32)
    enzyme_ids = jax.random.randint(ks[1], (BATCH,), 0, NUM_ENZYME, dtype=jnp.int64 if jax.config.jax_enable_x64 else jnp.int32)
    mf_c = jax.random.normal(ks[2], (NUM_COMPOUND, HIDDEN), dtype=jnp.float32)
    mf_e = jax.random.normal(ks[3], (NUM_ENZYME, HIDDEN), dtype=jnp.float32)
    mlp_c = jax.random.normal(ks[4], (NUM_COMPOUND, HIDDEN), dtype=jnp.float32)
    mlp_e = jax.random.normal(ks[5], (NUM_ENZYME, HIDDEN), dtype=jnp.float32)
    lim1 = 1.0 / np.sqrt(2 * HIDDEN)
    fc1_w = jax.random.uniform(ks[6], (HIDDEN, 2 * HIDDEN), jnp.float32, -lim1, lim1)
    fc1_b = jax.random.uniform(ks[7], (HIDDEN,), jnp.float32, -lim1, lim1)
    ce_w = jax.random.uniform(ks[8], (1, 2 * HIDDEN), jnp.float32, -lim1, lim1)
    ce_b = jax.random.uniform(ks[9], (1,), jnp.float32, -lim1, lim1)
    return {
        "compound_ids": compound_ids,
        "enzyme_ids": enzyme_ids,
        "mf_c": mf_c,
        "mf_e": mf_e,
        "mlp_c": mlp_c,
        "mlp_e": mlp_e,
        "fc1_w": fc1_w,
        "fc1_b": fc1_b,
        "ce_w": ce_w,
        "ce_b": ce_b,
    }


def reference(compound_ids, enzyme_ids, mf_c, mf_e, mlp_c, mlp_e, fc1_w, fc1_b, ce_w, ce_b):
    # Embedding lookups (SparseCore gather)
    mf_embedding_compound = jnp.take(mf_c, compound_ids, axis=0)
    mf_embedding_enzyme = jnp.take(mf_e, enzyme_ids, axis=0)
    mlp_embedding_compound = jnp.take(mlp_c, compound_ids, axis=0)
    mlp_embedding_enzyme = jnp.take(mlp_e, enzyme_ids, axis=0)
    # GMF branch
    mf_vector = mf_embedding_enzyme * mf_embedding_compound
    # MLP branch
    mlp_vector = jnp.concatenate([mlp_embedding_enzyme, mlp_embedding_compound], axis=-1)
    mlp_vector = jax.nn.relu(mlp_vector @ fc1_w.T + fc1_b)
    # Fuse; dropout is identity at inference
    predict_vector = jnp.concatenate([mf_vector, mlp_vector], axis=-1)
    predict_vector = jax.nn.sigmoid(predict_vector @ ce_w.T + ce_b)
    return predict_vector


if False:  # reference __main__ guard neutralized (emitter)
    out = reference(**setup_inputs())
    print(out.shape, out.dtype)

if __name__ == "__main__":
    import jax
    _d = setup_inputs()
    print(jax.jit(kernel)(*tuple(_d.values())))

</pallas_src>

<mosaic_0001>
#map = affine_map<(d0, d1) -> (0)>
#map1 = affine_map<(d0, d1) -> (0, 0)>
module attributes {stable_mosaic.version = 14 : i64} {
  func.func @_sc_gather(%arg0: i32, %arg1: i32, %arg2: memref<16384xi32, #tpu.memory_space<hbm>>, %arg3: memref<16384xi32, #tpu.memory_space<hbm>>, %arg4: memref<100000x128xi32, #tpu.memory_space<hbm>>, %arg5: memref<16384x128xi32, #tpu.memory_space<hbm>>, %arg6: memref<16384x128xi32, #tpu.memory_space<hbm>>, %arg7: memref<512xi32, #tpu.memory_space<vmem>>, %arg8: memref<512xi32, #tpu.memory_space<vmem>>, %arg9: memref<2x128x128xi32, #tpu.memory_space<vmem>>, %arg10: memref<2x128x128xi32, #tpu.memory_space<vmem>>, %arg11: memref<!tpu.dma_semaphore, #tpu.memory_space<semaphore_mem>>, %arg12: memref<!tpu.dma_semaphore, #tpu.memory_space<semaphore_mem>>) attributes {dimension_semantics = [#tpu.dimension_semantics<core_parallel>, #tpu.dimension_semantics<subcore_parallel>], iteration_bounds = array<i64: 2, 16>, scalar_prefetch = 0 : i64, scratch_operands = 6 : i64, tpu.core_type = #tpu.core_type<sc_vector_subcore>, window_params = [{transform_indices = #map}, {transform_indices = #map}, {transform_indices = #map1}, {transform_indices = #map1}, {transform_indices = #map1}]} {
    %mul3A = arith.constant 2 : i32
    %mul3A_0 = arith.muli %arg1, %mul3A : i32
    %add3A = arith.addi %mul3A_0, %arg0 : i32
    %mul3A_1 = arith.constant 512 : i32
    %mul3A_2 = arith.muli %add3A, %mul3A_1 : i32
    "tpu.region"() ({
      %run_scoped3A_176 = tpu.sem_alloc : memref<!tpu.dma_semaphore, #tpu.memory_space<semaphore_mem>>
      %dma_start3A_177 = tpu.memref_slice %arg2[%mul3A_2] : memref<16384xi32, #tpu.memory_space<hbm>> -> memref<512xi32, #tpu.memory_space<hbm>>
      %dma_start3A_178 = tpu.memref_slice %arg2[%mul3A_2] : memref<16384xi32, #tpu.memory_space<hbm>> -> memref<512xi32, #tpu.memory_space<hbm>>
      tpu.enqueue_dma source(%dma_start3A_178 : memref<512xi32, #tpu.memory_space<hbm>>) target(%arg7 : memref<512xi32, #tpu.memory_space<vmem>>) target_semaphore(%run_scoped3A_176 : memref<!tpu.dma_semaphore, #tpu.memory_space<semaphore_mem>>)
      %dma_wait3A_179 = tpu.memref_slice %arg2[%mul3A_2] : memref<16384xi32, #tpu.memory_space<hbm>> -> memref<512xi32, #tpu.memory_space<hbm>>
      %dma_wait3A_180 = tpu.memref_slice %arg2[%mul3A_2] : memref<16384xi32, #tpu.memory_space<hbm>> -> memref<512xi32, #tpu.memory_space<hbm>>
      tpu.wait_dma2 semaphore(%run_scoped3A_176 : memref<!tpu.dma_semaphore, #tpu.memory_space<semaphore_mem>>) src(%dma_wait3A_180 : memref<512xi32, #tpu.memory_space<hbm>>) dst(%arg7 : memref<512xi32, #tpu.memory_space<vmem>>)
      tpu.yield
    }) : () -> ()
    "tpu.region"() ({
      %run_scoped3A_176 = tpu.sem_alloc : memref<!tpu.dma_semaphore, #tpu.memory_space<semaphore_mem>>
      %dma_start3A_177 = tpu.memref_slice %arg3[%mul3A_2] : memref<16384xi32, #tpu.memory_space<hbm>> -> memref<512xi32, #tpu.memory_space<hbm>>
      %dma_start3A_178 = tpu.memref_slice %arg3[%mul3A_2] : memref<16384xi32, #tpu.memory_space<hbm>> -> memref<512xi32, #tpu.memory_space<hbm>>
      tpu.enqueue_dma source(%dma_start3A_178 : memref<512xi32, #tpu.memory_space<hbm>>) target(%arg8 : memref<512xi32, #tpu.memory_space<vmem>>) target_semaphore(%run_scoped3A_176 : memref<!tpu.dma_semaphore, #tpu.memory_space<semaphore_mem>>)
      %dma_wait3A_179 = tpu.memref_slice %arg3[%mul3A_2] : memref<16384xi32, #tpu.memory_space<hbm>> -> memref<512xi32, #tpu.memory_space<hbm>>
      %dma_wait3A_180 = tpu.memref_slice %arg3[%mul3A_2] : memref<16384xi32, #tpu.memory_space<hbm>> -> memref<512xi32, #tpu.memory_space<hbm>>
      tpu.wait_dma2 semaphore(%run_scoped3A_176 : memref<!tpu.dma_semaphore, #tpu.memory_space<semaphore_mem>>) src(%dma_wait3A_180 : memref<512xi32, #tpu.memory_space<hbm>>) dst(%arg8 : memref<512xi32, #tpu.memory_space<vmem>>)
      tpu.yield
    }) : () -> ()
    %dma_start3A = arith.constant 0 : i32
    %dma_start3A_3 = arith.constant 0 : i32
    %dma_start3A_4 = arith.constant 0 : i32
    %dma_start3A_5 = tpu.memref_slice %arg9[%dma_start3A, %dma_start3A_3, %dma_start3A_4] : memref<2x128x128xi32, #tpu.memory_space<vmem>> -> memref<1x128x128xi32, #tpu.memory_space<vmem>>
    %dma_start3A_6 = tpu.memref_squeeze %dma_start3A_5 : memref<1x128x128xi32, #tpu.memory_space<vmem>> -> memref<128x128xi32, #tpu.memory_space<vmem>>
    %dma_start3A_7 = arith.constant 0 : i32
    %dma_start3A_8 = tpu.memref_slice %arg7[%dma_start3A_7] : memref<512xi32, #tpu.memory_space<vmem>> -> memref<128xi32, #tpu.memory_space<vmem>>
    %dma_start3A_9 = arith.constant 0 : i32
    %dma_start3A_10 = arith.constant 0 : i32
    %dma_start3A_11 = tpu.memref_slice %arg4[%dma_start3A_9, %dma_start3A_10] : memref<100000x128xi32, #tpu.memory_space<hbm>> -> memref<100000x128xi32, #tpu.memory_space<hbm>>
    tpu.enqueue_indirect_dma source(%dma_start3A_11 : memref<100000x128xi32, #tpu.memory_space<hbm>>) target(%dma_start3A_6 : memref<128x128xi32, #tpu.memory_space<vmem>>) offsets(%dma_start3A_8 : memref<128xi32, #tpu.memory_space<vmem>>) semaphore(%arg11 : memref<!tpu.dma_semaphore, #tpu.memory_space<semaphore_mem>>)
    %dma_start3A_12 = arith.constant 0 : i32
    %dma_start3A_13 = arith.constant 0 : i32
    %dma_start3A_14 = arith.constant 0 : i32
    %dma_start3A_15 = tpu.memref_slice %arg10[%dma_start3A_12, %dma_start3A_13, %dma_start3A_14] : memref<2x128x128xi32, #tpu.memory_space<vmem>> -> memref<1x128x128xi32, #tpu.memory_space<vmem>>
    %dma_start3A_16 = tpu.memref_squeeze %dma_start3A_15 : memref<1x128x128xi32, #tpu.memory_space<vmem>> -> memref<128x128xi32, #tpu.memory_space<vmem>>
    %dma_start3A_17 = arith.constant 0 : i32
    %dma_start3A_18 = tpu.memref_slice %arg8[%dma_start3A_17] : memref<512xi32, #tpu.memory_space<vmem>> -> memref<128xi32, #tpu.memory_space<vmem>>
    %dma_start3A_19 = arith.constant 0 : i32
    %dma_start3A_20 = arith.constant 0 : i32
    %dma_start3A_21 = tpu.memref_slice %arg4[%dma_start3A_19, %dma_start3A_20] : memref<100000x128xi32, #tpu.memory_space<hbm>> -> memref<100000x128xi32, #tpu.memory_space<hbm>>
    tpu.enqueue_indirect_dma source(%dma_start3A_21 : memref<100000x128xi32, #tpu.memory_space<hbm>>) target(%dma_start3A_16 : memref<128x128xi32, #tpu.memory_space<vmem>>) offsets(%dma_start3A_18 : memref<128xi32, #tpu.memory_space<vmem>>) semaphore(%arg11 : memref<!tpu.dma_semaphore, #tpu.memory_space<semaphore_mem>>)
    %dma_start3A_22 = arith.constant 1 : i32
    %dma_start3A_23 = arith.constant 0 : i32
    %dma_start3A_24 = arith.constant 0 : i32
    %dma_start3A_25 = tpu.memref_slice %arg9[%dma_start3A_22, %dma_start3A_23, %dma_start3A_24] : memref<2x128x128xi32, #tpu.memory_space<vmem>> -> memref<1x128x128xi32, #tpu.memory_space<vmem>>
    %dma_start3A_26 = tpu.memref_squeeze %dma_start3A_25 : memref<1x128x128xi32, #tpu.memory_space<vmem>> -> memref<128x128xi32, #tpu.memory_space<vmem>>
    %dma_start3A_27 = arith.constant 128 : i32
    %dma_start3A_28 = tpu.memref_slice %arg7[%dma_start3A_27] : memref<512xi32, #tpu.memory_space<vmem>> -> memref<128xi32, #tpu.memory_space<vmem>>
    %dma_start3A_29 = arith.constant 0 : i32
    %dma_start3A_30 = arith.constant 0 : i32
    %dma_start3A_31 = tpu.memref_slice %arg4[%dma_start3A_29, %dma_start3A_30] : memref<100000x128xi32, #tpu.memory_space<hbm>> -> memref<100000x128xi32, #tpu.memory_space<hbm>>
    tpu.enqueue_indirect_dma source(%dma_start3A_31 : memref<100000x128xi32, #tpu.memory_space<hbm>>) target(%dma_start3A_26 : memref<128x128xi32, #tpu.memory_space<vmem>>) offsets(%dma_start3A_28 : memref<128xi32, #tpu.memory_space<vmem>>) semaphore(%arg12 : memref<!tpu.dma_semaphore, #tpu.memory_space<semaphore_mem>>)
    %dma_start3A_32 = arith.constant 1 : i32
    %dma_start3A_33 = arith.constant 0 : i32
    %dma_start3A_34 = arith.constant 0 : i32
    %dma_start3A_35 = tpu.memref_slice %arg10[%dma_start3A_32, %dma_start3A_33, %dma_start3A_34] : memref<2x128x128xi32, #tpu.memory_space<vmem>> -> memref<1x128x128xi32, #tpu.memory_space<vmem>>
    %dma_start3A_36 = tpu.memref_squeeze %dma_start3A_35 : memref<1x128x128xi32, #tpu.memory_space<vmem>> -> memref<128x128xi32, #tpu.memory_space<vmem>>
    %dma_start3A_37 = arith.constant 128 : i32
    %dma_start3A_38 = tpu.memref_slice %arg8[%dma_start3A_37] : memref<512xi32, #tpu.memory_space<vmem>> -> memref<128xi32, #tpu.memory_space<vmem>>
    %dma_start3A_39 = arith.constant 0 : i32
    %dma_start3A_40 = arith.constant 0 : i32
    %dma_start3A_41 = tpu.memref_slice %arg4[%dma_start3A_39, %dma_start3A_40] : memref<100000x128xi32, #tpu.memory_space<hbm>> -> memref<100000x128xi32, #tpu.memory_space<hbm>>
    tpu.enqueue_indirect_dma source(%dma_start3A_41 : memref<100000x128xi32, #tpu.memory_space<hbm>>) target(%dma_start3A_36 : memref<128x128xi32, #tpu.memory_space<vmem>>) offsets(%dma_start3A_38 : memref<128xi32, #tpu.memory_space<vmem>>) semaphore(%arg12 : memref<!tpu.dma_semaphore, #tpu.memory_space<semaphore_mem>>)
    %dma_wait3A = arith.constant 0 : i32
    %dma_wait3A_42 = arith.constant 0 : i32
    %dma_wait3A_43 = arith.constant 0 : i32
    %dma_wait3A_44 = tpu.memref_slice %arg9[%dma_wait3A, %dma_wait3A_42, %dma_wait3A_43] : memref<2x128x128xi32, #tpu.memory_space<vmem>> -> memref<1x128x128xi32, #tpu.memory_space<vmem>>
    %dma_wait3A_45 = tpu.memref_squeeze %dma_wait3A_44 : memref<1x128x128xi32, #tpu.memory_space<vmem>> -> memref<128x128xi32, #tpu.memory_space<vmem>>
    %dma_wait3A_46 = arith.constant 0 : i32
    %dma_wait3A_47 = tpu.memref_slice %arg7[%dma_wait3A_46] : memref<512xi32, #tpu.memory_space<vmem>> -> memref<128xi32, #tpu.memory_space<vmem>>
    %dma_wait3A_48 = arith.constant 0 : i32
    %dma_wait3A_49 = arith.constant 0 : i32
    %dma_wait3A_50 = tpu.memref_slice %arg4[%dma_wait3A_48, %dma_wait3A_49] : memref<100000x128xi32, #tpu.memory_space<hbm>> -> memref<100000x128xi32, #tpu.memory_space<hbm>>
    tpu.wait_indirect_dma semaphore(%arg11 : memref<!tpu.dma_semaphore, #tpu.memory_space<semaphore_mem>>) src(%dma_wait3A_50 : memref<100000x128xi32, #tpu.memory_space<hbm>>) dst(%dma_wait3A_45 : memref<128x128xi32, #tpu.memory_space<vmem>>)
    %dma_wait3A_51 = arith.constant 0 : i32
    %dma_wait3A_52 = arith.constant 0 : i32
    %dma_wait3A_53 = arith.constant 0 : i32
    %dma_wait3A_54 = tpu.memref_slice %arg10[%dma_wait3A_51, %dma_wait3A_52, %dma_wait3A_53] : memref<2x128x128xi32, #tpu.memory_space<vmem>> -> memref<1x128x128xi32, #tpu.memory_space<vmem>>
    %dma_wait3A_55 = tpu.memref_squeeze %dma_wait3A_54 : memref<1x128x128xi32, #tpu.memory_space<vmem>> -> memref<128x128xi32, #tpu.memory_space<vmem>>
    %dma_wait3A_56 = arith.constant 0 : i32
    %dma_wait3A_57 = tpu.memref_slice %arg8[%dma_wait3A_56] : memref<512xi32, #tpu.memory_space<vmem>> -> memref<128xi32, #tpu.memory_space<vmem>>
    %dma_wait3A_58 = arith.constant 0 : i32
    %dma_wait3A_59 = arith.constant 0 : i32
    %dma_wait3A_60 = tpu.memref_slice %arg4[%dma_wait3A_58, %dma_wait3A_59] : memref<100000x128xi32, #tpu.memory_space<hbm>> -> memref<100000x128xi32, #tpu.memory_space<hbm>>
    tpu.wait_indirect_dma semaphore(%arg11 : memref<!tpu.dma_semaphore, #tpu.memory_space<semaphore_mem>>) src(%dma_wait3A_60 : memref<100000x128xi32, #tpu.memory_space<hbm>>) dst(%dma_wait3A_55 : memref<128x128xi32, #tpu.memory_space<vmem>>)
    %add3A_61 = arith.constant 0 : i32
    %add3A_62 = arith.addi %mul3A_2, %add3A_61 : i32
    %run_scoped3A = arith.constant 0 : i32
    "tpu.region"() ({
      %run_scoped3A_176 = tpu.sem_alloc : memref<!tpu.dma_semaphore, #tpu.memory_space<semaphore_mem>>
      %dma_start3A_177 = arith.constant 0 : i32
      %dma_start3A_178 = arith.constant 0 : i32
      %dma_start3A_179 = tpu.memref_slice %arg9[%run_scoped3A, %dma_start3A_177, %dma_start3A_178] : memref<2x128x128xi32, #tpu.memory_space<vmem>> -> memref<1x128x128xi32, #tpu.memory_space<vmem>>
      %dma_start3A_180 = tpu.memref_squeeze %dma_start3A_179 : memref<1x128x128xi32, #tpu.memory_space<vmem>> -> memref<128x128xi32, #tpu.memory_space<vmem>>
      %dma_start3A_181 = arith.constant 0 : i32
      %dma_start3A_182 = tpu.memref_slice %arg5[%add3A_62, %dma_start3A_181] : memref<16384x128xi32, #tpu.memory_space<hbm>> -> memref<128x128xi32, #tpu.memory_space<hbm>>
      %dma_start3A_183 = arith.constant 0 : i32
      %dma_start3A_184 = tpu.memref_slice %arg5[%add3A_62, %dma_start3A_183] : memref<16384x128xi32, #tpu.memory_space<hbm>> -> memref<128x128xi32, #tpu.memory_space<hbm>>
      %dma_start3A_185 = arith.constant 0 : i32
      %dma_start3A_186 = arith.constant 0 : i32
      %dma_start3A_187 = tpu.memref_slice %arg9[%run_scoped3A, %dma_start3A_185, %dma_start3A_186] : memref<2x128x128xi32, #tpu.memory_space<vmem>> -> memref<1x128x128xi32, #tpu.memory_space<vmem>>
      %dma_start3A_188 = tpu.memref_squeeze %dma_start3A_187 : memref<1x128x128xi32, #tpu.memory_space<vmem>> -> memref<128x128xi32, #tpu.memory_space<vmem>>
      tpu.enqueue_dma source(%dma_start3A_188 : memref<128x128xi32, #tpu.memory_space<vmem>>) target(%dma_start3A_184 : memref<128x128xi32, #tpu.memory_space<hbm>>) target_semaphore(%run_scoped3A_176 : memref<!tpu.dma_semaphore, #tpu.memory_space<semaphore_mem>>)
      %dma_wait3A_189 = arith.constant 0 : i32
      %dma_wait3A_190 = arith.constant 0 : i32
      %dma_wait3A_191 = tpu.memref_slice %arg9[%run_scoped3A, %dma_wait3A_189, %dma_wait3A_190] : memref<2x128x128xi32, #tpu.memory_space<vmem>> -> memref<1x128x128xi32, #tpu.memory_space<vmem>>
      %dma_wait3A_192 = tpu.memref_squeeze %dma_wait3A_191 : memref<1x128x128xi32, #tpu.memory_space<vmem>> -> memref<128x128xi32, #tpu.memory_space<vmem>>
      %dma_wait3A_193 = arith.constant 0 : i32
      %dma_wait3A_194 = tpu.memref_slice %arg5[%add3A_62, %dma_wait3A_193] : memref<16384x128xi32, #tpu.memory_space<hbm>> -> memref<128x128xi32, #tpu.memory_space<hbm>>
      %dma_wait3A_195 = arith.constant 0 : i32
      %dma_wait3A_196 = tpu.memref_slice %arg5[%add3A_62, %dma_wait3A_195] : memref<16384x128xi32, #tpu.memory_space<hbm>> -> memref<128x128xi32, #tpu.memory_space<hbm>>
      %dma_wait3A_197 = arith.constant 0 : i32
      %dma_wait3A_198 = arith.constant 0 : i32
      %dma_wait3A_199 = tpu.memref_slice %arg9[%run_scoped3A, %dma_wait3A_197, %dma_wait3A_198] : memref<2x128x128xi32, #tpu.memory_space<vmem>> -> memref<1x128x128xi32, #tpu.memory_space<vmem>>
      %dma_wait3A_200 = tpu.memref_squeeze %dma_wait3A_199 : memref<1x128x128xi32, #tpu.memory_space<vmem>> -> memref<128x128xi32, #tpu.memory_space<vmem>>
      tpu.wait_dma2 semaphore(%run_scoped3A_176 : memref<!tpu.dma_semaphore, #tpu.memory_space<semaphore_mem>>) src(%dma_wait3A_200 : memref<128x128xi32, #tpu.memory_space<vmem>>) dst(%dma_wait3A_196 : memref<128x128xi32, #tpu.memory_space<hbm>>)
      tpu.yield
    }) : () -> ()
    %run_scoped3A_63 = arith.constant 0 : i32
    "tpu.region"() ({
      %run_scoped3A_176 = tpu.sem_alloc : memref<!tpu.dma_semaphore, #tpu.memory_space<semaphore_mem>>
      %dma_start3A_177 = arith.constant 0 : i32
      %dma_start3A_178 = arith.constant 0 : i32
      %dma_start3A_179 = tpu.memref_slice %arg10[%run_scoped3A_63, %dma_start3A_177, %dma_start3A_178] : memref<2x128x128xi32, #tpu.memory_space<vmem>> -> memref<1x128x128xi32, #tpu.memory_space<vmem>>
      %dma_start3A_180 = tpu.memref_squeeze %dma_start3A_179 : memref<1x128x128xi32, #tpu.memory_space<vmem>> -> memref<128x128xi32, #tpu.memory_space<vmem>>
      %dma_start3A_181 = arith.constant 0 : i32
      %dma_start3A_182 = tpu.memref_slice %arg6[%add3A_62, %dma_start3A_181] : memref<16384x128xi32, #tpu.memory_space<hbm>> -> memref<128x128xi32, #tpu.memory_space<hbm>>
      %dma_start3A_183 = arith.constant 0 : i32
      %dma_start3A_184 = tpu.memref_slice %arg6[%add3A_62, %dma_start3A_183] : memref<16384x128xi32, #tpu.memory_space<hbm>> -> memref<128x128xi32, #tpu.memory_space<hbm>>
      %dma_start3A_185 = arith.constant 0 : i32
      %dma_start3A_186 = arith.constant 0 : i32
      %dma_start3A_187 = tpu.memref_slice %arg10[%run_scoped3A_63, %dma_start3A_185, %dma_start3A_186] : memref<2x128x128xi32, #tpu.memory_space<vmem>> -> memref<1x128x128xi32, #tpu.memory_space<vmem>>
      %dma_start3A_188 = tpu.memref_squeeze %dma_start3A_187 : memref<1x128x128xi32, #tpu.memory_space<vmem>> -> memref<128x128xi32, #tpu.memory_space<vmem>>
      tpu.enqueue_dma source(%dma_start3A_188 : memref<128x128xi32, #tpu.memory_space<vmem>>) target(%dma_start3A_184 : memref<128x128xi32, #tpu.memory_space<hbm>>) target_semaphore(%run_scoped3A_176 : memref<!tpu.dma_semaphore, #tpu.memory_space<semaphore_mem>>)
      %dma_wait3A_189 = arith.constant 0 : i32
      %dma_wait3A_190 = arith.constant 0 : i32
      %dma_wait3A_191 = tpu.memref_slice %arg10[%run_scoped3A_63, %dma_wait3A_189, %dma_wait3A_190] : memref<2x128x128xi32, #tpu.memory_space<vmem>> -> memref<1x128x128xi32, #tpu.memory_space<vmem>>
      %dma_wait3A_192 = tpu.memref_squeeze %dma_wait3A_191 : memref<1x128x128xi32, #tpu.memory_space<vmem>> -> memref<128x128xi32, #tpu.memory_space<vmem>>
      %dma_wait3A_193 = arith.constant 0 : i32
      %dma_wait3A_194 = tpu.memref_slice %arg6[%add3A_62, %dma_wait3A_193] : memref<16384x128xi32, #tpu.memory_space<hbm>> -> memref<128x128xi32, #tpu.memory_space<hbm>>
      %dma_wait3A_195 = arith.constant 0 : i32
      %dma_wait3A_196 = tpu.memref_slice %arg6[%add3A_62, %dma_wait3A_195] : memref<16384x128xi32, #tpu.memory_space<hbm>> -> memref<128x128xi32, #tpu.memory_space<hbm>>
      %dma_wait3A_197 = arith.constant 0 : i32
      %dma_wait3A_198 = arith.constant 0 : i32
      %dma_wait3A_199 = tpu.memref_slice %arg10[%run_scoped3A_63, %dma_wait3A_197, %dma_wait3A_198] : memref<2x128x128xi32, #tpu.memory_space<vmem>> -> memref<1x128x128xi32, #tpu.memory_space<vmem>>
      %dma_wait3A_200 = tpu.memref_squeeze %dma_wait3A_199 : memref<1x128x128xi32, #tpu.memory_space<vmem>> -> memref<128x128xi32, #tpu.memory_space<vmem>>
      tpu.wait_dma2 semaphore(%run_scoped3A_176 : memref<!tpu.dma_semaphore, #tpu.memory_space<semaphore_mem>>) src(%dma_wait3A_200 : memref<128x128xi32, #tpu.memory_space<vmem>>) dst(%dma_wait3A_196 : memref<128x128xi32, #tpu.memory_space<hbm>>)
      tpu.yield
    }) : () -> ()
    %dma_start3A_64 = arith.constant 0 : i32
    %dma_start3A_65 = arith.constant 0 : i32
    %dma_start3A_66 = arith.constant 0 : i32
    %dma_start3A_67 = tpu.memref_slice %arg9[%dma_start3A_64, %dma_start3A_65, %dma_start3A_66] : memref<2x128x128xi32, #tpu.memory_space<vmem>> -> memref<1x128x128xi32, #tpu.memory_space<vmem>>
    %dma_start3A_68 = tpu.memref_squeeze %dma_start3A_67 : memref<1x128x128xi32, #tpu.memory_space<vmem>> -> memref<128x128xi32, #tpu.memory_space<vmem>>
    %dma_start3A_69 = arith.constant 256 : i32
    %dma_start3A_70 = tpu.memref_slice %arg7[%dma_start3A_69] : memref<512xi32, #tpu.memory_space<vmem>> -> memref<128xi32, #tpu.memory_space<vmem>>
    %dma_start3A_71 = arith.constant 0 : i32
    %dma_start3A_72 = arith.constant 0 : i32
    %dma_start3A_73 = tpu.memref_slice %arg4[%dma_start3A_71, %dma_start3A_72] : memref<100000x128xi32, #tpu.memory_space<hbm>> -> memref<100000x128xi32, #tpu.memory_space<hbm>>
    tpu.enqueue_indirect_dma source(%dma_start3A_73 : memref<100000x128xi32, #tpu.memory_space<hbm>>) target(%dma_start3A_68 : memref<128x128xi32, #tpu.memory_space<vmem>>) offsets(%dma_start3A_70 : memref<128xi32, #tpu.memory_space<vmem>>) semaphore(%arg11 : memref<!tpu.dma_semaphore, #tpu.memory_space<semaphore_mem>>)
    %dma_start3A_74 = arith.constant 0 : i32
    %dma_start3A_75 = arith.constant 0 : i32
    %dma_start3A_76 = arith.constant 0 : i32
    %dma_start3A_77 = tpu.memref_slice %arg10[%dma_start3A_74, %dma_start3A_75, %dma_start3A_76] : memref<2x128x128xi32, #tpu.memory_space<vmem>> -> memref<1x128x128xi32, #tpu.memory_space<vmem>>
    %dma_start3A_78 = tpu.memref_squeeze %dma_start3A_77 : memref<1x128x128xi32, #tpu.memory_space<vmem>> -> memref<128x128xi32, #tpu.memory_space<vmem>>
    %dma_start3A_79 = arith.constant 256 : i32
    %dma_start3A_80 = tpu.memref_slice %arg8[%dma_start3A_79] : memref<512xi32, #tpu.memory_space<vmem>> -> memref<128xi32, #tpu.memory_space<vmem>>
    %dma_start3A_81 = arith.constant 0 : i32
    %dma_start3A_82 = arith.constant 0 : i32
    %dma_start3A_83 = tpu.memref_slice %arg4[%dma_start3A_81, %dma_start3A_82] : memref<100000x128xi32, #tpu.memory_space<hbm>> -> memref<100000x128xi32, #tpu.memory_space<hbm>>
    tpu.enqueue_indirect_dma source(%dma_start3A_83 : memref<100000x128xi32, #tpu.memory_space<hbm>>) target(%dma_start3A_78 : memref<128x128xi32, #tpu.memory_space<vmem>>) offsets(%dma_start3A_80 : memref<128xi32, #tpu.memory_space<vmem>>) semaphore(%arg11 : memref<!tpu.dma_semaphore, #tpu.memory_space<semaphore_mem>>)
    %dma_wait3A_84 = arith.constant 1 : i32
    %dma_wait3A_85 = arith.constant 0 : i32
    %dma_wait3A_86 = arith.constant 0 : i32
    %dma_wait3A_87 = tpu.memref_slice %arg9[%dma_wait3A_84, %dma_wait3A_85, %dma_wait3A_86] : memref<2x128x128xi32, #tpu.memory_space<vmem>> -> memref<1x128x128xi32, #tpu.memory_space<vmem>>
    %dma_wait3A_88 = tpu.memref_squeeze %dma_wait3A_87 : memref<1x128x128xi32, #tpu.memory_space<vmem>> -> memref<128x128xi32, #tpu.memory_space<vmem>>
    %dma_wait3A_89 = arith.constant 128 : i32
    %dma_wait3A_90 = tpu.memref_slice %arg7[%dma_wait3A_89] : memref<512xi32, #tpu.memory_space<vmem>> -> memref<128xi32, #tpu.memory_space<vmem>>
    %dma_wait3A_91 = arith.constant 0 : i32
    %dma_wait3A_92 = arith.constant 0 : i32
    %dma_wait3A_93 = tpu.memref_slice %arg4[%dma_wait3A_91, %dma_wait3A_92] : memref<100000x128xi32, #tpu.memory_space<hbm>> -> memref<100000x128xi32, #tpu.memory_space<hbm>>
    tpu.wait_indirect_dma semaphore(%arg12 : memref<!tpu.dma_semaphore, #tpu.memory_space<semaphore_mem>>) src(%dma_wait3A_93 : memref<100000x128xi32, #tpu.memory_space<hbm>>) dst(%dma_wait3A_88 : memref<128x128xi32, #tpu.memory_space<vmem>>)
    %dma_wait3A_94 = arith.constant 1 : i32
    %dma_wait3A_95 = arith.constant 0 : i32
    %dma_wait3A_96 = arith.constant 0 : i32
    %dma_wait3A_97 = tpu.memref_slice %arg10[%dma_wait3A_94, %dma_wait3A_95, %dma_wait3A_96] : memref<2x128x128xi32, #tpu.memory_space<vmem>> -> memref<1x128x128xi32, #tpu.memory_space<vmem>>
    %dma_wait3A_98 = tpu.memref_squeeze %dma_wait3A_97 : memref<1x128x128xi32, #tpu.memory_space<vmem>> -> memref<128x128xi32, #tpu.memory_space<vmem>>
    %dma_wait3A_99 = arith.constant 128 : i32
    %dma_wait3A_100 = tpu.memref_slice %arg8[%dma_wait3A_99] : memref<512xi32, #tpu.memory_space<vmem>> -> memref<128xi32, #tpu.memory_space<vmem>>
    %dma_wait3A_101 = arith.constant 0 : i32
    %dma_wait3A_102 = arith.constant 0 : i32
    %dma_wait3A_103 = tpu.memref_slice %arg4[%dma_wait3A_101, %dma_wait3A_102] : memref<100000x128xi32, #tpu.memory_space<hbm>> -> memref<100000x128xi32, #tpu.memory_space<hbm>>
    tpu.wait_indirect_dma semaphore(%arg12 : memref<!tpu.dma_semaphore, #tpu.memory_space<semaphore_mem>>) src(%dma_wait3A_103 : memref<100000x128xi32, #tpu.memory_space<hbm>>) dst(%dma_wait3A_98 : memref<128x128xi32, #tpu.memory_space<vmem>>)
    %add3A_104 = arith.constant 128 : i32
    %add3A_105 = arith.addi %mul3A_2, %add3A_104 : i32
    %run_scoped3A_106 = arith.constant 1 : i32
    "tpu.region"() ({
      %run_scoped3A_176 = tpu.sem_alloc : memref<!tpu.dma_semaphore, #tpu.memory_space<semaphore_mem>>
      %dma_start3A_177 = arith.constant 0 : i32
      %dma_start3A_178 = arith.constant 0 : i32
      %dma_start3A_179 = tpu.memref_slice %arg9[%run_scoped3A_106, %dma_start3A_177, %dma_start3A_178] : memref<2x128x128xi32, #tpu.memory_space<vmem>> -> memref<1x128x128xi32, #tpu.memory_space<vmem>>
      %dma_start3A_180 = tpu.memref_squeeze %dma_start3A_179 : memref<1x128x128xi32, #tpu.memory_space<vmem>> -> memref<128x128xi32, #tpu.memory_space<vmem>>
      %dma_start3A_181 = arith.constant 0 : i32
      %dma_start3A_182 = tpu.memref_slice %arg5[%add3A_105, %dma_start3A_181] : memref<16384x128xi32, #tpu.memory_space<hbm>> -> memref<128x128xi32, #tpu.memory_space<hbm>>
      %dma_start3A_183 = arith.constant 0 : i32
      %dma_start3A_184 = tpu.memref_slice %arg5[%add3A_105, %dma_start3A_183] : memref<16384x128xi32, #tpu.memory_space<hbm>> -> memref<128x128xi32, #tpu.memory_space<hbm>>
      %dma_start3A_185 = arith.constant 0 : i32
      %dma_start3A_186 = arith.constant 0 : i32
      %dma_start3A_187 = tpu.memref_slice %arg9[%run_scoped3A_106, %dma_start3A_185, %dma_start3A_186] : memref<2x128x128xi32, #tpu.memory_space<vmem>> -> memref<1x128x128xi32, #tpu.memory_space<vmem>>
      %dma_start3A_188 = tpu.memref_squeeze %dma_start3A_187 : memref<1x128x128xi32, #tpu.memory_space<vmem>> -> memref<128x128xi32, #tpu.memory_space<vmem>>
      tpu.enqueue_dma source(%dma_start3A_188 : memref<128x128xi32, #tpu.memory_space<vmem>>) target(%dma_start3A_184 : memref<128x128xi32, #tpu.memory_space<hbm>>) target_semaphore(%run_scoped3A_176 : memref<!tpu.dma_semaphore, #tpu.memory_space<semaphore_mem>>)
      %dma_wait3A_189 = arith.constant 0 : i32
      %dma_wait3A_190 = arith.constant 0 : i32
      %dma_wait3A_191 = tpu.memref_slice %arg9[%run_scoped3A_106, %dma_wait3A_189, %dma_wait3A_190] : memref<2x128x128xi32, #tpu.memory_space<vmem>> -> memref<1x128x128xi32, #tpu.memory_space<vmem>>
      %dma_wait3A_192 = tpu.memref_squeeze %dma_wait3A_191 : memref<1x128x128xi32, #tpu.memory_space<vmem>> -> memref<128x128xi32, #tpu.memory_space<vmem>>
      %dma_wait3A_193 = arith.constant 0 : i32
      %dma_wait3A_194 = tpu.memref_slice %arg5[%add3A_105, %dma_wait3A_193] : memref<16384x128xi32, #tpu.memory_space<hbm>> -> memref<128x128xi32, #tpu.memory_space<hbm>>
      %dma_wait3A_195 = arith.constant 0 : i32
      %dma_wait3A_196 = tpu.memref_slice %arg5[%add3A_105, %dma_wait3A_195] : memref<16384x128xi32, #tpu.memory_space<hbm>> -> memref<128x128xi32, #tpu.memory_space<hbm>>
      %dma_wait3A_197 = arith.constant 0 : i32
      %dma_wait3A_198 = arith.constant 0 : i32
      %dma_wait3A_199 = tpu.memref_slice %arg9[%run_scoped3A_106, %dma_wait3A_197, %dma_wait3A_198] : memref<2x128x128xi32, #tpu.memory_space<vmem>> -> memref<1x128x128xi32, #tpu.memory_space<vmem>>
      %dma_wait3A_200 = tpu.memref_squeeze %dma_wait3A_199 : memref<1x128x128xi32, #tpu.memory_space<vmem>> -> memref<128x128xi32, #tpu.memory_space<vmem>>
      tpu.wait_dma2 semaphore(%run_scoped3A_176 : memref<!tpu.dma_semaphore, #tpu.memory_space<semaphore_mem>>) src(%dma_wait3A_200 : memref<128x128xi32, #tpu.memory_space<vmem>>) dst(%dma_wait3A_196 : memref<128x128xi32, #tpu.memory_space<hbm>>)
      tpu.yield
    }) : () -> ()
    %run_scoped3A_107 = arith.constant 1 : i32
    "tpu.region"() ({
      %run_scoped3A_176 = tpu.sem_alloc : memref<!tpu.dma_semaphore, #tpu.memory_space<semaphore_mem>>
      %dma_start3A_177 = arith.constant 0 : i32
      %dma_start3A_178 = arith.constant 0 : i32
      %dma_start3A_179 = tpu.memref_slice %arg10[%run_scoped3A_107, %dma_start3A_177, %dma_start3A_178] : memref<2x128x128xi32, #tpu.memory_space<vmem>> -> memref<1x128x128xi32, #tpu.memory_space<vmem>>
      %dma_start3A_180 = tpu.memref_squeeze %dma_start3A_179 : memref<1x128x128xi32, #tpu.memory_space<vmem>> -> memref<128x128xi32, #tpu.memory_space<vmem>>
      %dma_start3A_181 = arith.constant 0 : i32
      %dma_start3A_182 = tpu.memref_slice %arg6[%add3A_105, %dma_start3A_181] : memref<16384x128xi32, #tpu.memory_space<hbm>> -> memref<128x128xi32, #tpu.memory_space<hbm>>
      %dma_start3A_183 = arith.constant 0 : i32
      %dma_start3A_184 = tpu.memref_slice %arg6[%add3A_105, %dma_start3A_183] : memref<16384x128xi32, #tpu.memory_space<hbm>> -> memref<128x128xi32, #tpu.memory_space<hbm>>
      %dma_start3A_185 = arith.constant 0 : i32
      %dma_start3A_186 = arith.constant 0 : i32
      %dma_start3A_187 = tpu.memref_slice %arg10[%run_scoped3A_107, %dma_start3A_185, %dma_start3A_186] : memref<2x128x128xi32, #tpu.memory_space<vmem>> -> memref<1x128x128xi32, #tpu.memory_space<vmem>>
      %dma_start3A_188 = tpu.memref_squeeze %dma_start3A_187 : memref<1x128x128xi32, #tpu.memory_space<vmem>> -> memref<128x128xi32, #tpu.memory_space<vmem>>
      tpu.enqueue_dma source(%dma_start3A_188 : memref<128x128xi32, #tpu.memory_space<vmem>>) target(%dma_start3A_184 : memref<128x128xi32, #tpu.memory_space<hbm>>) target_semaphore(%run_scoped3A_176 : memref<!tpu.dma_semaphore, #tpu.memory_space<semaphore_mem>>)
      %dma_wait3A_189 = arith.constant 0 : i32
      %dma_wait3A_190 = arith.constant 0 : i32
      %dma_wait3A_191 = tpu.memref_slice %arg10[%run_scoped3A_107, %dma_wait3A_189, %dma_wait3A_190] : memref<2x128x128xi32, #tpu.memory_space<vmem>> -> memref<1x128x128xi32, #tpu.memory_space<vmem>>
      %dma_wait3A_192 = tpu.memref_squeeze %dma_wait3A_191 : memref<1x128x128xi32, #tpu.memory_space<vmem>> -> memref<128x128xi32, #tpu.memory_space<vmem>>
      %dma_wait3A_193 = arith.constant 0 : i32
      %dma_wait3A_194 = tpu.memref_slice %arg6[%add3A_105, %dma_wait3A_193] : memref<16384x128xi32, #tpu.memory_space<hbm>> -> memref<128x128xi32, #tpu.memory_space<hbm>>
      %dma_wait3A_195 = arith.constant 0 : i32
      %dma_wait3A_196 = tpu.memref_slice %arg6[%add3A_105, %dma_wait3A_195] : memref<16384x128xi32, #tpu.memory_space<hbm>> -> memref<128x128xi32, #tpu.memory_space<hbm>>
      %dma_wait3A_197 = arith.constant 0 : i32
      %dma_wait3A_198 = arith.constant 0 : i32
      %dma_wait3A_199 = tpu.memref_slice %arg10[%run_scoped3A_107, %dma_wait3A_197, %dma_wait3A_198] : memref<2x128x128xi32, #tpu.memory_space<vmem>> -> memref<1x128x128xi32, #tpu.memory_space<vmem>>
      %dma_wait3A_200 = tpu.memref_squeeze %dma_wait3A_199 : memref<1x128x128xi32, #tpu.memory_space<vmem>> -> memref<128x128xi32, #tpu.memory_space<vmem>>
      tpu.wait_dma2 semaphore(%run_scoped3A_176 : memref<!tpu.dma_semaphore, #tpu.memory_space<semaphore_mem>>) src(%dma_wait3A_200 : memref<128x128xi32, #tpu.memory_space<vmem>>) dst(%dma_wait3A_196 : memref<128x128xi32, #tpu.memory_space<hbm>>)
      tpu.yield
    }) : () -> ()
    %dma_start3A_108 = arith.constant 1 : i32
    %dma_start3A_109 = arith.constant 0 : i32
    %dma_start3A_110 = arith.constant 0 : i32
    %dma_start3A_111 = tpu.memref_slice %arg9[%dma_start3A_108, %dma_start3A_109, %dma_start3A_110] : memref<2x128x128xi32, #tpu.memory_space<vmem>> -> memref<1x128x128xi32, #tpu.memory_space<vmem>>
    %dma_start3A_112 = tpu.memref_squeeze %dma_start3A_111 : memref<1x128x128xi32, #tpu.memory_space<vmem>> -> memref<128x128xi32, #tpu.memory_space<vmem>>
    %dma_start3A_113 = arith.constant 384 : i32
    %dma_start3A_114 = tpu.memref_slice %arg7[%dma_start3A_113] : memref<512xi32, #tpu.memory_space<vmem>> -> memref<128xi32, #tpu.memory_space<vmem>>
    %dma_start3A_115 = arith.constant 0 : i32
    %dma_start3A_116 = arith.constant 0 : i32
    %dma_start3A_117 = tpu.memref_slice %arg4[%dma_start3A_115, %dma_start3A_116] : memref<100000x128xi32, #tpu.memory_space<hbm>> -> memref<100000x128xi32, #tpu.memory_space<hbm>>
    tpu.enqueue_indirect_dma source(%dma_start3A_117 : memref<100000x128xi32, #tpu.memory_space<hbm>>) target(%dma_start3A_112 : memref<128x128xi32, #tpu.memory_space<vmem>>) offsets(%dma_start3A_114 : memref<128xi32, #tpu.memory_space<vmem>>) semaphore(%arg12 : memref<!tpu.dma_semaphore, #tpu.memory_space<semaphore_mem>>)
    %dma_start3A_118 = arith.constant 1 : i32
    %dma_start3A_119 = arith.constant 0 : i32
    %dma_start3A_120 = arith.constant 0 : i32
    %dma_start3A_121 = tpu.memref_slice %arg10[%dma_start3A_118, %dma_start3A_119, %dma_start3A_120] : memref<2x128x128xi32, #tpu.memory_space<vmem>> -> memref<1x128x128xi32, #tpu.memory_space<vmem>>
    %dma_start3A_122 = tpu.memref_squeeze %dma_start3A_121 : memref<1x128x128xi32, #tpu.memory_space<vmem>> -> memref<128x128xi32, #tpu.memory_space<vmem>>
    %dma_start3A_123 = arith.constant 384 : i32
    %dma_start3A_124 = tpu.memref_slice %arg8[%dma_start3A_123] : memref<512xi32, #tpu.memory_space<vmem>> -> memref<128xi32, #tpu.memory_space<vmem>>
    %dma_start3A_125 = arith.constant 0 : i32
    %dma_start3A_126 = arith.constant 0 : i32
    %dma_start3A_127 = tpu.memref_slice %arg4[%dma_start3A_125, %dma_start3A_126] : memref<100000x128xi32, #tpu.memory_space<hbm>> -> memref<100000x128xi32, #tpu.memory_space<hbm>>
    tpu.enqueue_indirect_dma source(%dma_start3A_127 : memref<100000x128xi32, #tpu.memory_space<hbm>>) target(%dma_start3A_122 : memref<128x128xi32, #tpu.memory_space<vmem>>) offsets(%dma_start3A_124 : memref<128xi32, #tpu.memory_space<vmem>>) semaphore(%arg12 : memref<!tpu.dma_semaphore, #tpu.memory_space<semaphore_mem>>)
    %dma_wait3A_128 = arith.constant 0 : i32
    %dma_wait3A_129 = arith.constant 0 : i32
    %dma_wait3A_130 = arith.constant 0 : i32
    %dma_wait3A_131 = tpu.memref_slice %arg9[%dma_wait3A_128, %dma_wait3A_129, %dma_wait3A_130] : memref<2x128x128xi32, #tpu.memory_space<vmem>> -> memref<1x128x128xi32, #tpu.memory_space<vmem>>
    %dma_wait3A_132 = tpu.memref_squeeze %dma_wait3A_131 : memref<1x128x128xi32, #tpu.memory_space<vmem>> -> memref<128x128xi32, #tpu.memory_space<vmem>>
    %dma_wait3A_133 = arith.constant 256 : i32
    %dma_wait3A_134 = tpu.memref_slice %arg7[%dma_wait3A_133] : memref<512xi32, #tpu.memory_space<vmem>> -> memref<128xi32, #tpu.memory_space<vmem>>
    %dma_wait3A_135 = arith.constant 0 : i32
    %dma_wait3A_136 = arith.constant 0 : i32
    %dma_wait3A_137 = tpu.memref_slice %arg4[%dma_wait3A_135, %dma_wait3A_136] : memref<100000x128xi32, #tpu.memory_space<hbm>> -> memref<100000x128xi32, #tpu.memory_space<hbm>>
    tpu.wait_indirect_dma semaphore(%arg11 : memref<!tpu.dma_semaphore, #tpu.memory_space<semaphore_mem>>) src(%dma_wait3A_137 : memref<100000x128xi32, #tpu.memory_space<hbm>>) dst(%dma_wait3A_132 : memref<128x128xi32, #tpu.memory_space<vmem>>)
    %dma_wait3A_138 = arith.constant 0 : i32
    %dma_wait3A_139 = arith.constant 0 : i32
    %dma_wait3A_140 = arith.constant 0 : i32
    %dma_wait3A_141 = tpu.memref_slice %arg10[%dma_wait3A_138, %dma_wait3A_139, %dma_wait3A_140] : memref<2x128x128xi32, #tpu.memory_space<vmem>> -> memref<1x128x128xi32, #tpu.memory_space<vmem>>
    %dma_wait3A_142 = tpu.memref_squeeze %dma_wait3A_141 : memref<1x128x128xi32, #tpu.memory_space<vmem>> -> memref<128x128xi32, #tpu.memory_space<vmem>>
    %dma_wait3A_143 = arith.constant 256 : i32
    %dma_wait3A_144 = tpu.memref_slice %arg8[%dma_wait3A_143] : memref<512xi32, #tpu.memory_space<vmem>> -> memref<128xi32, #tpu.memory_space<vmem>>
    %dma_wait3A_145 = arith.constant 0 : i32
    %dma_wait3A_146 = arith.constant 0 : i32
    %dma_wait3A_147 = tpu.memref_slice %arg4[%dma_wait3A_145, %dma_wait3A_146] : memref<100000x128xi32, #tpu.memory_space<hbm>> -> memref<100000x128xi32, #tpu.memory_space<hbm>>
    tpu.wait_indirect_dma semaphore(%arg11 : memref<!tpu.dma_semaphore, #tpu.memory_space<semaphore_mem>>) src(%dma_wait3A_147 : memref<100000x128xi32, #tpu.memory_space<hbm>>) dst(%dma_wait3A_142 : memref<128x128xi32, #tpu.memory_space<vmem>>)
    %add3A_148 = arith.constant 256 : i32
    %add3A_149 = arith.addi %mul3A_2, %add3A_148 : i32
    %run_scoped3A_150 = arith.constant 0 : i32
    "tpu.region"() ({
      %run_scoped3A_176 = tpu.sem_alloc : memref<!tpu.dma_semaphore, #tpu.memory_space<semaphore_mem>>
      %dma_start3A_177 = arith.constant 0 : i32
      %dma_start3A_178 = arith.constant 0 : i32
      %dma_start3A_179 = tpu.memref_slice %arg9[%run_scoped3A_150, %dma_start3A_177, %dma_start3A_178] : memref<2x128x128xi32, #tpu.memory_space<vmem>> -> memref<1x128x128xi32, #tpu.memory_space<vmem>>
      %dma_start3A_180 = tpu.memref_squeeze %dma_start3A_179 : memref<1x128x128xi32, #tpu.memory_space<vmem>> -> memref<128x128xi32, #tpu.memory_space<vmem>>
      %dma_start3A_181 = arith.constant 0 : i32
      %dma_start3A_182 = tpu.memref_slice %arg5[%add3A_149, %dma_start3A_181] : memref<16384x128xi32, #tpu.memory_space<hbm>> -> memref<128x128xi32, #tpu.memory_space<hbm>>
      %dma_start3A_183 = arith.constant 0 : i32
      %dma_start3A_184 = tpu.memref_slice %arg5[%add3A_149, %dma_start3A_183] : memref<16384x128xi32, #tpu.memory_space<hbm>> -> memref<128x128xi32, #tpu.memory_space<hbm>>
      %dma_start3A_185 = arith.constant 0 : i32
      %dma_start3A_186 = arith.constant 0 : i32
      %dma_start3A_187 = tpu.memref_slice %arg9[%run_scoped3A_150, %dma_start3A_185, %dma_start3A_186] : memref<2x128x128xi32, #tpu.memory_space<vmem>> -> memref<1x128x128xi32, #tpu.memory_space<vmem>>
      %dma_start3A_188 = tpu.memref_squeeze %dma_start3A_187 : memref<1x128x128xi32, #tpu.memory_space<vmem>> -> memref<128x128xi32, #tpu.memory_space<vmem>>
      tpu.enqueue_dma source(%dma_start3A_188 : memref<128x128xi32, #tpu.memory_space<vmem>>) target(%dma_start3A_184 : memref<128x128xi32, #tpu.memory_space<hbm>>) target_semaphore(%run_scoped3A_176 : memref<!tpu.dma_semaphore, #tpu.memory_space<semaphore_mem>>)
      %dma_wait3A_189 = arith.constant 0 : i32
      %dma_wait3A_190 = arith.constant 0 : i32
      %dma_wait3A_191 = tpu.memref_slice %arg9[%run_scoped3A_150, %dma_wait3A_189, %dma_wait3A_190] : memref<2x128x128xi32, #tpu.memory_space<vmem>> -> memref<1x128x128xi32, #tpu.memory_space<vmem>>
      %dma_wait3A_192 = tpu.memref_squeeze %dma_wait3A_191 : memref<1x128x128xi32, #tpu.memory_space<vmem>> -> memref<128x128xi32, #tpu.memory_space<vmem>>
      %dma_wait3A_193 = arith.constant 0 : i32
      %dma_wait3A_194 = tpu.memref_slice %arg5[%add3A_149, %dma_wait3A_193] : memref<16384x128xi32, #tpu.memory_space<hbm>> -> memref<128x128xi32, #tpu.memory_space<hbm>>
      %dma_wait3A_195 = arith.constant 0 : i32
      %dma_wait3A_196 = tpu.memref_slice %arg5[%add3A_149, %dma_wait3A_195] : memref<16384x128xi32, #tpu.memory_space<hbm>> -> memref<128x128xi32, #tpu.memory_space<hbm>>
      %dma_wait3A_197 = arith.constant 0 : i32
      %dma_wait3A_198 = arith.constant 0 : i32
      %dma_wait3A_199 = tpu.memref_slice %arg9[%run_scoped3A_150, %dma_wait3A_197, %dma_wait3A_198] : memref<2x128x128xi32, #tpu.memory_space<vmem>> -> memref<1x128x128xi32, #tpu.memory_space<vmem>>
      %dma_wait3A_200 = tpu.memref_squeeze %dma_wait3A_199 : memref<1x128x128xi32, #tpu.memory_space<vmem>> -> memref<128x128xi32, #tpu.memory_space<vmem>>
      tpu.wait_dma2 semaphore(%run_scoped3A_176 : memref<!tpu.dma_semaphore, #tpu.memory_space<semaphore_mem>>) src(%dma_wait3A_200 : memref<128x128xi32, #tpu.memory_space<vmem>>) dst(%dma_wait3A_196 : memref<128x128xi32, #tpu.memory_space<hbm>>)
      tpu.yield
    }) : () -> ()
    %run_scoped3A_151 = arith.constant 0 : i32
    "tpu.region"() ({
      %run_scoped3A_176 = tpu.sem_alloc : memref<!tpu.dma_semaphore, #tpu.memory_space<semaphore_mem>>
      %dma_start3A_177 = arith.constant 0 : i32
      %dma_start3A_178 = arith.constant 0 : i32
      %dma_start3A_179 = tpu.memref_slice %arg10[%run_scoped3A_151, %dma_start3A_177, %dma_start3A_178] : memref<2x128x128xi32, #tpu.memory_space<vmem>> -> memref<1x128x128xi32, #tpu.memory_space<vmem>>
      %dma_start3A_180 = tpu.memref_squeeze %dma_start3A_179 : memref<1x128x128xi32, #tpu.memory_space<vmem>> -> memref<128x128xi32, #tpu.memory_space<vmem>>
      %dma_start3A_181 = arith.constant 0 : i32
      %dma_start3A_182 = tpu.memref_slice %arg6[%add3A_149, %dma_start3A_181] : memref<16384x128xi32, #tpu.memory_space<hbm>> -> memref<128x128xi32, #tpu.memory_space<hbm>>
      %dma_start3A_183 = arith.constant 0 : i32
      %dma_start3A_184 = tpu.memref_slice %arg6[%add3A_149, %dma_start3A_183] : memref<16384x128xi32, #tpu.memory_space<hbm>> -> memref<128x128xi32, #tpu.memory_space<hbm>>
      %dma_start3A_185 = arith.constant 0 : i32
      %dma_start3A_186 = arith.constant 0 : i32
      %dma_start3A_187 = tpu.memref_slice %arg10[%run_scoped3A_151, %dma_start3A_185, %dma_start3A_186] : memref<2x128x128xi32, #tpu.memory_space<vmem>> -> memref<1x128x128xi32, #tpu.memory_space<vmem>>
      %dma_start3A_188 = tpu.memref_squeeze %dma_start3A_187 : memref<1x128x128xi32, #tpu.memory_space<vmem>> -> memref<128x128xi32, #tpu.memory_space<vmem>>
      tpu.enqueue_dma source(%dma_start3A_188 : memref<128x128xi32, #tpu.memory_space<vmem>>) target(%dma_start3A_184 : memref<128x128xi32, #tpu.memory_space<hbm>>) target_semaphore(%run_scoped3A_176 : memref<!tpu.dma_semaphore, #tpu.memory_space<semaphore_mem>>)
      %dma_wait3A_189 = arith.constant 0 : i32
      %dma_wait3A_190 = arith.constant 0 : i32
      %dma_wait3A_191 = tpu.memref_slice %arg10[%run_scoped3A_151, %dma_wait3A_189, %dma_wait3A_190] : memref<2x128x128xi32, #tpu.memory_space<vmem>> -> memref<1x128x128xi32, #tpu.memory_space<vmem>>
      %dma_wait3A_192 = tpu.memref_squeeze %dma_wait3A_191 : memref<1x128x128xi32, #tpu.memory_space<vmem>> -> memref<128x128xi32, #tpu.memory_space<vmem>>
      %dma_wait3A_193 = arith.constant 0 : i32
      %dma_wait3A_194 = tpu.memref_slice %arg6[%add3A_149, %dma_wait3A_193] : memref<16384x128xi32, #tpu.memory_space<hbm>> -> memref<128x128xi32, #tpu.memory_space<hbm>>
      %dma_wait3A_195 = arith.constant 0 : i32
      %dma_wait3A_196 = tpu.memref_slice %arg6[%add3A_149, %dma_wait3A_195] : memref<16384x128xi32, #tpu.memory_space<hbm>> -> memref<128x128xi32, #tpu.memory_space<hbm>>
      %dma_wait3A_197 = arith.constant 0 : i32
      %dma_wait3A_198 = arith.constant 0 : i32
      %dma_wait3A_199 = tpu.memref_slice %arg10[%run_scoped3A_151, %dma_wait3A_197, %dma_wait3A_198] : memref<2x128x128xi32, #tpu.memory_space<vmem>> -> memref<1x128x128xi32, #tpu.memory_space<vmem>>
      %dma_wait3A_200 = tpu.memref_squeeze %dma_wait3A_199 : memref<1x128x128xi32, #tpu.memory_space<vmem>> -> memref<128x128xi32, #tpu.memory_space<vmem>>
      tpu.wait_dma2 semaphore(%run_scoped3A_176 : memref<!tpu.dma_semaphore, #tpu.memory_space<semaphore_mem>>) src(%dma_wait3A_200 : memref<128x128xi32, #tpu.memory_space<vmem>>) dst(%dma_wait3A_196 : memref<128x128xi32, #tpu.memory_space<hbm>>)
      tpu.yield
    }) : () -> ()
    %dma_wait3A_152 = arith.constant 1 : i32
    %dma_wait3A_153 = arith.constant 0 : i32
    %dma_wait3A_154 = arith.constant 0 : i32
    %dma_wait3A_155 = tpu.memref_slice %arg9[%dma_wait3A_152, %dma_wait3A_153, %dma_wait3A_154] : memref<2x128x128xi32, #tpu.memory_space<vmem>> -> memref<1x128x128xi32, #tpu.memory_space<vmem>>
    %dma_wait3A_156 = tpu.memref_squeeze %dma_wait3A_155 : memref<1x128x128xi32, #tpu.memory_space<vmem>> -> memref<128x128xi32, #tpu.memory_space<vmem>>
    %dma_wait3A_157 = arith.constant 384 : i32
    %dma_wait3A_158 = tpu.memref_slice %arg7[%dma_wait3A_157] : memref<512xi32, #tpu.memory_space<vmem>> -> memref<128xi32, #tpu.memory_space<vmem>>
    %dma_wait3A_159 = arith.constant 0 : i32
    %dma_wait3A_160 = arith.constant 0 : i32
    %dma_wait3A_161 = tpu.memref_slice %arg4[%dma_wait3A_159, %dma_wait3A_160] : memref<100000x128xi32, #tpu.memory_space<hbm>> -> memref<100000x128xi32, #tpu.memory_space<hbm>>
    tpu.wait_indirect_dma semaphore(%arg12 : memref<!tpu.dma_semaphore, #tpu.memory_space<semaphore_mem>>) src(%dma_wait3A_161 : memref<100000x128xi32, #tpu.memory_space<hbm>>) dst(%dma_wait3A_156 : memref<128x128xi32, #tpu.memory_space<vmem>>)
    %dma_wait3A_162 = arith.constant 1 : i32
    %dma_wait3A_163 = arith.constant 0 : i32
    %dma_wait3A_164 = arith.constant 0 : i32
    %dma_wait3A_165 = tpu.memref_slice %arg10[%dma_wait3A_162, %dma_wait3A_163, %dma_wait3A_164] : memref<2x128x128xi32, #tpu.memory_space<vmem>> -> memref<1x128x128xi32, #tpu.memory_space<vmem>>
    %dma_wait3A_166 = tpu.memref_squeeze %dma_wait3A_165 : memref<1x128x128xi32, #tpu.memory_space<vmem>> -> memref<128x128xi32, #tpu.memory_space<vmem>>
    %dma_wait3A_167 = arith.constant 384 : i32
    %dma_wait3A_168 = tpu.memref_slice %arg8[%dma_wait3A_167] : memref<512xi32, #tpu.memory_space<vmem>> -> memref<128xi32, #tpu.memory_space<vmem>>
    %dma_wait3A_169 = arith.constant 0 : i32
    %dma_wait3A_170 = arith.constant 0 : i32
    %dma_wait3A_171 = tpu.memref_slice %arg4[%dma_wait3A_169, %dma_wait3A_170] : memref<100000x128xi32, #tpu.memory_space<hbm>> -> memref<100000x128xi32, #tpu.memory_space<hbm>>
    tpu.wait_indirect_dma semaphore(%arg12 : memref<!tpu.dma_semaphore, #tpu.memory_space<semaphore_mem>>) src(%dma_wait3A_171 : memref<100000x128xi32, #tpu.memory_space<hbm>>) dst(%dma_wait3A_166 : memref<128x128xi32, #tpu.memory_space<vmem>>)
    %add3A_172 = arith.constant 384 : i32
    %add3A_173 = arith.addi %mul3A_2, %add3A_172 : i32
    %run_scoped3A_174 = arith.constant 1 : i32
    "tpu.region"() ({
      %run_scoped3A_176 = tpu.sem_alloc : memref<!tpu.dma_semaphore, #tpu.memory_space<semaphore_mem>>
      %dma_start3A_177 = arith.constant 0 : i32
      %dma_start3A_178 = arith.constant 0 : i32
      %dma_start3A_179 = tpu.memref_slice %arg9[%run_scoped3A_174, %dma_start3A_177, %dma_start3A_178] : memref<2x128x128xi32, #tpu.memory_space<vmem>> -> memref<1x128x128xi32, #tpu.memory_space<vmem>>
      %dma_start3A_180 = tpu.memref_squeeze %dma_start3A_179 : memref<1x128x128xi32, #tpu.memory_space<vmem>> -> memref<128x128xi32, #tpu.memory_space<vmem>>
      %dma_start3A_181 = arith.constant 0 : i32
      %dma_start3A_182 = tpu.memref_slice %arg5[%add3A_173, %dma_start3A_181] : memref<16384x128xi32, #tpu.memory_space<hbm>> -> memref<128x128xi32, #tpu.memory_space<hbm>>
      %dma_start3A_183 = arith.constant 0 : i32
      %dma_start3A_184 = tpu.memref_slice %arg5[%add3A_173, %dma_start3A_183] : memref<16384x128xi32, #tpu.memory_space<hbm>> -> memref<128x128xi32, #tpu.memory_space<hbm>>
      %dma_start3A_185 = arith.constant 0 : i32
      %dma_start3A_186 = arith.constant 0 : i32
      %dma_start3A_187 = tpu.memref_slice %arg9[%run_scoped3A_174, %dma_start3A_185, %dma_start3A_186] : memref<2x128x128xi32, #tpu.memory_space<vmem>> -> memref<1x128x128xi32, #tpu.memory_space<vmem>>
      %dma_start3A_188 = tpu.memref_squeeze %dma_start3A_187 : memref<1x128x128xi32, #tpu.memory_space<vmem>> -> memref<128x128xi32, #tpu.memory_space<vmem>>
      tpu.enqueue_dma source(%dma_start3A_188 : memref<128x128xi32, #tpu.memory_space<vmem>>) target(%dma_start3A_184 : memref<128x128xi32, #tpu.memory_space<hbm>>) target_semaphore(%run_scoped3A_176 : memref<!tpu.dma_semaphore, #tpu.memory_space<semaphore_mem>>)
      %dma_wait3A_189 = arith.constant 0 : i32
      %dma_wait3A_190 = arith.constant 0 : i32
      %dma_wait3A_191 = tpu.memref_slice %arg9[%run_scoped3A_174, %dma_wait3A_189, %dma_wait3A_190] : memref<2x128x128xi32, #tpu.memory_space<vmem>> -> memref<1x128x128xi32, #tpu.memory_space<vmem>>
      %dma_wait3A_192 = tpu.memref_squeeze %dma_wait3A_191 : memref<1x128x128xi32, #tpu.memory_space<vmem>> -> memref<128x128xi32, #tpu.memory_space<vmem>>
      %dma_wait3A_193 = arith.constant 0 : i32
      %dma_wait3A_194 = tpu.memref_slice %arg5[%add3A_173, %dma_wait3A_193] : memref<16384x128xi32, #tpu.memory_space<hbm>> -> memref<128x128xi32, #tpu.memory_space<hbm>>
      %dma_wait3A_195 = arith.constant 0 : i32
      %dma_wait3A_196 = tpu.memref_slice %arg5[%add3A_173, %dma_wait3A_195] : memref<16384x128xi32, #tpu.memory_space<hbm>> -> memref<128x128xi32, #tpu.memory_space<hbm>>
      %dma_wait3A_197 = arith.constant 0 : i32
      %dma_wait3A_198 = arith.constant 0 : i32
      %dma_wait3A_199 = tpu.memref_slice %arg9[%run_scoped3A_174, %dma_wait3A_197, %dma_wait3A_198] : memref<2x128x128xi32, #tpu.memory_space<vmem>> -> memref<1x128x128xi32, #tpu.memory_space<vmem>>
      %dma_wait3A_200 = tpu.memref_squeeze %dma_wait3A_199 : memref<1x128x128xi32, #tpu.memory_space<vmem>> -> memref<128x128xi32, #tpu.memory_space<vmem>>
      tpu.wait_dma2 semaphore(%run_scoped3A_176 : memref<!tpu.dma_semaphore, #tpu.memory_space<semaphore_mem>>) src(%dma_wait3A_200 : memref<128x128xi32, #tpu.memory_space<vmem>>) dst(%dma_wait3A_196 : memref<128x128xi32, #tpu.memory_space<hbm>>)
      tpu.yield
    }) : () -> ()
    %run_scoped3A_175 = arith.constant 1 : i32
    "tpu.region"() ({
      %run_scoped3A_176 = tpu.sem_alloc : memref<!tpu.dma_semaphore, #tpu.memory_space<semaphore_mem>>
      %dma_start3A_177 = arith.constant 0 : i32
      %dma_start3A_178 = arith.constant 0 : i32
      %dma_start3A_179 = tpu.memref_slice %arg10[%run_scoped3A_175, %dma_start3A_177, %dma_start3A_178] : memref<2x128x128xi32, #tpu.memory_space<vmem>> -> memref<1x128x128xi32, #tpu.memory_space<vmem>>
      %dma_start3A_180 = tpu.memref_squeeze %dma_start3A_179 : memref<1x128x128xi32, #tpu.memory_space<vmem>> -> memref<128x128xi32, #tpu.memory_space<vmem>>
      %dma_start3A_181 = arith.constant 0 : i32
      %dma_start3A_182 = tpu.memref_slice %arg6[%add3A_173, %dma_start3A_181] : memref<16384x128xi32, #tpu.memory_space<hbm>> -> memref<128x128xi32, #tpu.memory_space<hbm>>
      %dma_start3A_183 = arith.constant 0 : i32
      %dma_start3A_184 = tpu.memref_slice %arg6[%add3A_173, %dma_start3A_183] : memref<16384x128xi32, #tpu.memory_space<hbm>> -> memref<128x128xi32, #tpu.memory_space<hbm>>
      %dma_start3A_185 = arith.constant 0 : i32
      %dma_start3A_186 = arith.constant 0 : i32
      %dma_start3A_187 = tpu.memref_slice %arg10[%run_scoped3A_175, %dma_start3A_185, %dma_start3A_186] : memref<2x128x128xi32, #tpu.memory_space<vmem>> -> memref<1x128x128xi32, #tpu.memory_space<vmem>>
      %dma_start3A_188 = tpu.memref_squeeze %dma_start3A_187 : memref<1x128x128xi32, #tpu.memory_space<vmem>> -> memref<128x128xi32, #tpu.memory_space<vmem>>
      tpu.enqueue_dma source(%dma_start3A_188 : memref<128x128xi32, #tpu.memory_space<vmem>>) target(%dma_start3A_184 : memref<128x128xi32, #tpu.memory_space<hbm>>) target_semaphore(%run_scoped3A_176 : memref<!tpu.dma_semaphore, #tpu.memory_space<semaphore_mem>>)
      %dma_wait3A_189 = arith.constant 0 : i32
      %dma_wait3A_190 = arith.constant 0 : i32
      %dma_wait3A_191 = tpu.memref_slice %arg10[%run_scoped3A_175, %dma_wait3A_189, %dma_wait3A_190] : memref<2x128x128xi32, #tpu.memory_space<vmem>> -> memref<1x128x128xi32, #tpu.memory_space<vmem>>
      %dma_wait3A_192 = tpu.memref_squeeze %dma_wait3A_191 : memref<1x128x128xi32, #tpu.memory_space<vmem>> -> memref<128x128xi32, #tpu.memory_space<vmem>>
      %dma_wait3A_193 = arith.constant 0 : i32
      %dma_wait3A_194 = tpu.memref_slice %arg6[%add3A_173, %dma_wait3A_193] : memref<16384x128xi32, #tpu.memory_space<hbm>> -> memref<128x128xi32, #tpu.memory_space<hbm>>
      %dma_wait3A_195 = arith.constant 0 : i32
      %dma_wait3A_196 = tpu.memref_slice %arg6[%add3A_173, %dma_wait3A_195] : memref<16384x128xi32, #tpu.memory_space<hbm>> -> memref<128x128xi32, #tpu.memory_space<hbm>>
      %dma_wait3A_197 = arith.constant 0 : i32
      %dma_wait3A_198 = arith.constant 0 : i32
      %dma_wait3A_199 = tpu.memref_slice %arg10[%run_scoped3A_175, %dma_wait3A_197, %dma_wait3A_198] : memref<2x128x128xi32, #tpu.memory_space<vmem>> -> memref<1x128x128xi32, #tpu.memory_space<vmem>>
      %dma_wait3A_200 = tpu.memref_squeeze %dma_wait3A_199 : memref<1x128x128xi32, #tpu.memory_space<vmem>> -> memref<128x128xi32, #tpu.memory_space<vmem>>
      tpu.wait_dma2 semaphore(%run_scoped3A_176 : memref<!tpu.dma_semaphore, #tpu.memory_space<semaphore_mem>>) src(%dma_wait3A_200 : memref<128x128xi32, #tpu.memory_space<vmem>>) dst(%dma_wait3A_196 : memref<128x128xi32, #tpu.memory_space<hbm>>)
      tpu.yield
    }) : () -> ()
    return
  }
}

module attributes {stable_mosaic.version = 14 : i64} {
  func.func @_tc_body(%arg0: i32, %arg1: memref<4096x128xi32, #tpu.memory_space<vmem>>, %arg2: memref<4096x128xi32, #tpu.memory_space<vmem>>, %arg3: memref<64x64xf32, #tpu.memory_space<vmem>>, %arg4: memref<64x64xf32, #tpu.memory_space<vmem>>, %arg5: memref<1x64xf32, #tpu.memory_space<vmem>>, %arg6: memref<64x1xf32, #tpu.memory_space<vmem>>, %arg7: memref<64x1xf32, #tpu.memory_space<vmem>>, %arg8: memref<1x1xf32, #tpu.memory_space<vmem>>, %arg9: memref<4096x1xf32, #tpu.memory_space<vmem>>) attributes {dimension_semantics = [#tpu.dimension_semantics<arbitrary>], iteration_bounds = array<i64: 4>, scalar_prefetch = 0 : i64, scratch_operands = 0 : i64, tpu.core_type = #tpu.core_type<tc>, window_params = [{transform_indices = @transform_0, window_bounds = array<i64: 4096, 128>}, {transform_indices = @transform_1, window_bounds = array<i64: 4096, 128>}, {pipeline_mode = #tpu.pipeline_mode<synchronous>, transform_indices = @transform_2, window_bounds = array<i64: 64, 64>}, {pipeline_mode = #tpu.pipeline_mode<synchronous>, transform_indices = @transform_3, window_bounds = array<i64: 64, 64>}, {pipeline_mode = #tpu.pipeline_mode<synchronous>, transform_indices = @transform_4, window_bounds = array<i64: 1, 64>}, {pipeline_mode = #tpu.pipeline_mode<synchronous>, transform_indices = @transform_5, window_bounds = array<i64: 64, 1>}, {pipeline_mode = #tpu.pipeline_mode<synchronous>, transform_indices = @transform_6, window_bounds = array<i64: 64, 1>}, {pipeline_mode = #tpu.pipeline_mode<synchronous>, transform_indices = @transform_7, window_bounds = array<i64: 1, 1>}, {transform_indices = @transform_8, window_bounds = array<i64: 4096, 1>}]} {
    %get3A = arith.constant 0 : index
    %get3A_0 = arith.constant 0 : index
    %get3A_1 = vector.load %arg1[%get3A, %get3A_0] : memref<4096x128xi32, #tpu.memory_space<vmem>>, vector<4096x128xi32>
    %bitcast_convert_type3A = tpu.bitcast %get3A_1 : vector<4096x128xi32> -> vector<4096x128xi32>
    %get3A_2 = arith.constant 0 : index
    %get3A_3 = arith.constant 0 : index
    %get3A_4 = vector.load %arg2[%get3A_2, %get3A_3] : memref<4096x128xi32, #tpu.memory_space<vmem>>, vector<4096x128xi32>
    %bitcast_convert_type3A_5 = tpu.bitcast %get3A_4 : vector<4096x128xi32> -> vector<4096x128xi32>
    %and3A = arith.constant 65535 : i32
    %and3A_6 = vector.broadcast %and3A : i32 to vector<4096x128xi32>
    %and3A_7 = arith.andi %bitcast_convert_type3A, %and3A_6 : vector<4096x128xi32>
    %convert_element_type3A = arith.trunci %and3A_7 : vector<4096x128xi32> to vector<4096x128xi16>
    %bitcast_convert_type3A_8 = tpu.bitcast %convert_element_type3A : vector<4096x128xi16> -> vector<4096x128xbf16>
    %convert_element_type3A_9 = arith.extf %bitcast_convert_type3A_8 : vector<4096x128xbf16> to vector<4096x128xf32>
    %shift_right_logical3A = arith.constant 16 : i32
    %shift_right_logical3A_10 = vector.broadcast %shift_right_logical3A : i32 to vector<4096x128xi32>
    %shift_right_logical3A_11 = arith.shrui %bitcast_convert_type3A_5, %shift_right_logical3A_10 : vector<4096x128xi32>
    %convert_element_type3A_12 = arith.trunci %shift_right_logical3A_11 : vector<4096x128xi32> to vector<4096x128xi16>
    %bitcast_convert_type3A_13 = tpu.bitcast %convert_element_type3A_12 : vector<4096x128xi16> -> vector<4096x128xbf16>
    %convert_element_type3A_14 = arith.extf %bitcast_convert_type3A_13 : vector<4096x128xbf16> to vector<4096x128xf32>
    %slice3A = vector.extract_strided_slice %convert_element_type3A_9 {offsets = [0, 0], sizes = [4096, 64], strides = [1, 1]} : vector<4096x128xf32> to vector<4096x64xf32>
    %slice3A_15 = vector.extract_strided_slice %convert_element_type3A_14 {offsets = [0, 0], sizes = [4096, 64], strides = [1, 1]} : vector<4096x128xf32> to vector<4096x64xf32>
    %mul3A = arith.mulf %slice3A, %slice3A_15 : vector<4096x64xf32>
    %slice3A_16 = vector.extract_strided_slice %convert_element_type3A_9 {offsets = [0, 64], sizes = [4096, 64], strides = [1, 1]} : vector<4096x128xf32> to vector<4096x64xf32>
    %slice3A_17 = vector.extract_strided_slice %convert_element_type3A_14 {offsets = [0, 64], sizes = [4096, 64], strides = [1, 1]} : vector<4096x128xf32> to vector<4096x64xf32>
    %get3A_18 = arith.constant 0 : index
    %get3A_19 = arith.constant 0 : index
    %get3A_20 = vector.load %arg3[%get3A_18, %get3A_19] : memref<64x64xf32, #tpu.memory_space<vmem>>, vector<64x64xf32>
    %dot_general3A = arith.constant dense<0.000000e+00> : vector<4096x64xf32>
    %dot_general3A_21 = tpu.matmul %slice3A_17, %get3A_20, %dot_general3A {dimension_numbers = #tpu.dot_dimension_numbers<[1], [0], [0], [1], [0, 0, 1, 1], [], []>, transpose_lhs_hint = false} : vector<4096x64xf32>, vector<64x64xf32>, vector<4096x64xf32> -> vector<4096x64xf32>
    %get3A_22 = arith.constant 0 : index
    %get3A_23 = arith.constant 0 : index
    %get3A_24 = vector.load %arg4[%get3A_22, %get3A_23] : memref<64x64xf32, #tpu.memory_space<vmem>>, vector<64x64xf32>
    %dot_general3A_25 = arith.constant dense<0.000000e+00> : vector<4096x64xf32>
    %dot_general3A_26 = tpu.matmul %slice3A_16, %get3A_24, %dot_general3A_25 {dimension_numbers = #tpu.dot_dimension_numbers<[1], [0], [0], [1], [0, 0, 1, 1], [], []>, transpose_lhs_hint = false} : vector<4096x64xf32>, vector<64x64xf32>, vector<4096x64xf32> -> vector<4096x64xf32>
    %add3A = arith.addf %dot_general3A_21, %dot_general3A_26 : vector<4096x64xf32>
    %get3A_27 = arith.constant 0 : index
    %get3A_28 = arith.constant 0 : index
    %get3A_29 = vector.load %arg5[%get3A_27, %get3A_28] : memref<1x64xf32, #tpu.memory_space<vmem>>, vector<1x64xf32>
    %add3A_30 = vector.broadcast %get3A_29 : vector<1x64xf32> to vector<4096x64xf32>
    %add3A_31 = arith.addf %add3A, %add3A_30 : vector<4096x64xf32>
    %max3A = arith.constant 0.000000e+00 : f32
    %max3A_32 = vector.broadcast %max3A : f32 to vector<4096x64xf32>
    %max3A_33 = arith.maximumf %add3A_31, %max3A_32 : vector<4096x64xf32>
    %get3A_34 = arith.constant 0 : index
    %get3A_35 = arith.constant 0 : index
    %get3A_36 = vector.load %arg6[%get3A_34, %get3A_35] : memref<64x1xf32, #tpu.memory_space<vmem>>, vector<64x1xf32>
    %dot_general3A_37 = arith.constant dense<0.000000e+00> : vector<4096x1xf32>
    %dot_general3A_38 = tpu.matmul %mul3A, %get3A_36, %dot_general3A_37 {dimension_numbers = #tpu.dot_dimension_numbers<[1], [0], [0], [1], [0, 0, 1, 1], [], []>, transpose_lhs_hint = false} : vector<4096x64xf32>, vector<64x1xf32>, vector<4096x1xf32> -> vector<4096x1xf32>
    %get3A_39 = arith.constant 0 : index
    %get3A_40 = arith.constant 0 : index
    %get3A_41 = vector.load %arg7[%get3A_39, %get3A_40] : memref<64x1xf32, #tpu.memory_space<vmem>>, vector<64x1xf32>
    %dot_general3A_42 = arith.constant dense<0.000000e+00> : vector<4096x1xf32>
    %dot_general3A_43 = tpu.matmul %max3A_33, %get3A_41, %dot_general3A_42 {dimension_numbers = #tpu.dot_dimension_numbers<[1], [0], [0], [1], [0, 0, 1, 1], [], []>, transpose_lhs_hint = false} : vector<4096x64xf32>, vector<64x1xf32>, vector<4096x1xf32> -> vector<4096x1xf32>
    %add3A_44 = arith.addf %dot_general3A_38, %dot_general3A_43 : vector<4096x1xf32>
    %get3A_45 = arith.constant 0 : index
    %get3A_46 = arith.constant 0 : index
    %get3A_47 = vector.load %arg8[%get3A_45, %get3A_46] : memref<1x1xf32, #tpu.memory_space<vmem>>, vector<1x1xf32>
    %get3A_48 = vector.extract %get3A_47[0, 0] : f32 from vector<1x1xf32>
    %add3A_49 = vector.broadcast %get3A_48 : f32 to vector<4096x1xf32>
    %add3A_50 = arith.addf %add3A_44, %add3A_49 : vector<4096x1xf32>
    %logistic3A = arith.negf %add3A_50 : vector<4096x1xf32>
    %logistic3A_51 = math.exp %logistic3A : vector<4096x1xf32>
    %logistic3A_52 = arith.constant 1.000000e+00 : f32
    %logistic3A_53 = vector.broadcast %logistic3A_52 : f32 to vector<4096x1xf32>
    %logistic3A_54 = arith.addf %logistic3A_53, %logistic3A_51 : vector<4096x1xf32>
    %logistic3A_55 = arith.divf %logistic3A_53, %logistic3A_54 : vector<4096x1xf32>
    %swap3A = arith.constant 0 : index
    %swap3A_56 = arith.constant 0 : index
    %swap3A_57 = vector.load %arg9[%swap3A, %swap3A_56] : memref<4096x1xf32, #tpu.memory_space<vmem>>, vector<4096x1xf32>
    tpu.vector_store %arg9[%swap3A, %swap3A_56], %logistic3A_55 {strides = array<i32>} : memref<4096x1xf32, #tpu.memory_space<vmem>>, vector<4096x1xf32>,
    return
  }
  func.func @transform_0(%arg0: i32) -> (i32, i32) {
    %c0_i32 = arith.constant 0 : i32
    %c0_i32_0 = arith.constant 0 : i32
    return %arg0, %c0_i32 : i32, i32
  }
  func.func @transform_1(%arg0: i32) -> (i32, i32) {
    %c0_i32 = arith.constant 0 : i32
    %c0_i32_0 = arith.constant 0 : i32
    return %arg0, %c0_i32 : i32, i32
  }
  func.func @transform_2(%arg0: i32) -> (i32, i32) {
    %c0_i32 = arith.constant 0 : i32
    %c0_i32_0 = arith.constant 0 : i32
    %c0_i32_1 = arith.constant 0 : i32
    return %c0_i32, %c0_i32_0 : i32, i32
  }
  func.func @transform_3(%arg0: i32) -> (i32, i32) {
    %c0_i32 = arith.constant 0 : i32
    %c0_i32_0 = arith.constant 0 : i32
    %c0_i32_1 = arith.constant 0 : i32
    return %c0_i32, %c0_i32_0 : i32, i32
  }
  func.func @transform_4(%arg0: i32) -> (i32, i32) {
    %c0_i32 = arith.constant 0 : i32
    %c0_i32_0 = arith.constant 0 : i32
    %c0_i32_1 = arith.constant 0 : i32
    return %c0_i32, %c0_i32_0 : i32, i32
  }
  func.func @transform_5(%arg0: i32) -> (i32, i32) {
    %c0_i32 = arith.constant 0 : i32
    %c0_i32_0 = arith.constant 0 : i32
    %c0_i32_1 = arith.constant 0 : i32
    return %c0_i32, %c0_i32_0 : i32, i32
  }
  func.func @transform_6(%arg0: i32) -> (i32, i32) {
    %c0_i32 = arith.constant 0 : i32
    %c0_i32_0 = arith.constant 0 : i32
    %c0_i32_1 = arith.constant 0 : i32
    return %c0_i32, %c0_i32_0 : i32, i32
  }
  func.func @transform_7(%arg0: i32) -> (i32, i32) {
    %c0_i32 = arith.constant 0 : i32
    %c0_i32_0 = arith.constant 0 : i32
    %c0_i32_1 = arith.constant 0 : i32
    return %c0_i32, %c0_i32_0 : i32, i32
  }
  func.func @transform_8(%arg0: i32) -> (i32, i32) {
    %c0_i32 = arith.constant 0 : i32
    %c0_i32_0 = arith.constant 0 : i32
    return %arg0, %c0_i32 : i32, i32
  }
}

module attributes {stable_mosaic.version = 14 : i64} {
  func.func @_cc_body(%arg0: i32, %arg1: memref<64x8192xf32, #tpu.memory_space<vmem>>, %arg2: memref<64x8192xf32, #tpu.memory_space<vmem>>, %arg3: memref<64x8192xf32, #tpu.memory_space<vmem>>, %arg4: memref<64x8192xf32, #tpu.memory_space<vmem>>, %arg5: memref<8192x128xi32, #tpu.memory_space<vmem>>) attributes {dimension_semantics = [#tpu.dimension_semantics<arbitrary>], iteration_bounds = array<i64: 13>, scalar_prefetch = 0 : i64, scratch_operands = 0 : i64, tpu.core_type = #tpu.core_type<tc>, window_params = [{transform_indices = @transform_0, window_bounds = array<i64: 64, 8192>}, {transform_indices = @transform_1, window_bounds = array<i64: 64, 8192>}, {transform_indices = @transform_2, window_bounds = array<i64: 64, 8192>}, {transform_indices = @transform_3, window_bounds = array<i64: 64, 8192>}, {transform_indices = @transform_4, window_bounds = array<i64: 8192, 128>}]} {
    %get3A = arith.constant 0 : index
    %get3A_0 = arith.constant 0 : index
    %get3A_1 = vector.load %arg1[%get3A, %get3A_0] : memref<64x8192xf32, #tpu.memory_space<vmem>>, vector<64x8192xf32>
    %transpose3A = tpu.transpose %get3A_1, [1, 0] : vector<64x8192xf32> -> vector<8192x64xf32>
    %get3A_2 = arith.constant 0 : index
    %get3A_3 = arith.constant 0 : index
    %get3A_4 = vector.load %arg2[%get3A_2, %get3A_3] : memref<64x8192xf32, #tpu.memory_space<vmem>>, vector<64x8192xf32>
    %transpose3A_5 = tpu.transpose %get3A_4, [1, 0] : vector<64x8192xf32> -> vector<8192x64xf32>
    %concatenate3A = tpu.concatenate %transpose3A, %transpose3A_5 in 1 : vector<8192x64xf32>, vector<8192x64xf32> -> vector<8192x128xf32>
    %get3A_6 = arith.constant 0 : index
    %get3A_7 = arith.constant 0 : index
    %get3A_8 = vector.load %arg3[%get3A_6, %get3A_7] : memref<64x8192xf32, #tpu.memory_space<vmem>>, vector<64x8192xf32>
    %transpose3A_9 = tpu.transpose %get3A_8, [1, 0] : vector<64x8192xf32> -> vector<8192x64xf32>
    %get3A_10 = arith.constant 0 : index
    %get3A_11 = arith.constant 0 : index
    %get3A_12 = vector.load %arg4[%get3A_10, %get3A_11] : memref<64x8192xf32, #tpu.memory_space<vmem>>, vector<64x8192xf32>
    %transpose3A_13 = tpu.transpose %get3A_12, [1, 0] : vector<64x8192xf32> -> vector<8192x64xf32>
    %concatenate3A_14 = tpu.concatenate %transpose3A_9, %transpose3A_13 in 1 : vector<8192x64xf32>, vector<8192x64xf32> -> vector<8192x128xf32>
    %convert_element_type3A = arith.truncf %concatenate3A : vector<8192x128xf32> to vector<8192x128xbf16>
    %bitcast_convert_type3A = tpu.bitcast %convert_element_type3A : vector<8192x128xbf16> -> vector<8192x128xi16>
    %convert_element_type3A_15 = arith.extui %bitcast_convert_type3A : vector<8192x128xi16> to vector<8192x128xi32>
    %convert_element_type3A_16 = arith.truncf %concatenate3A_14 : vector<8192x128xf32> to vector<8192x128xbf16>
    %bitcast_convert_type3A_17 = tpu.bitcast %convert_element_type3A_16 : vector<8192x128xbf16> -> vector<8192x128xi16>
    %convert_element_type3A_18 = arith.extui %bitcast_convert_type3A_17 : vector<8192x128xi16> to vector<8192x128xi32>
    %shift_left3A = arith.constant 16 : i32
    %shift_left3A_19 = vector.broadcast %shift_left3A : i32 to vector<8192x128xi32>
    %shift_left3A_20 = arith.shli %convert_element_type3A_18, %shift_left3A_19 : vector<8192x128xi32>
    %or3A = arith.ori %convert_element_type3A_15, %shift_left3A_20 : vector<8192x128xi32>
    %bitcast_convert_type3A_21 = tpu.bitcast %or3A : vector<8192x128xi32> -> vector<8192x128xi32>
    %swap3A = arith.constant 0 : index
    %swap3A_22 = arith.constant 0 : index
    %swap3A_23 = vector.load %arg5[%swap3A, %swap3A_22] : memref<8192x128xi32, #tpu.memory_space<vmem>>, vector<8192x128xi32>
    tpu.vector_store %arg5[%swap3A, %swap3A_22], %bitcast_convert_type3A_21 {strides = array<i32>} : memref<8192x128xi32, #tpu.memory_space<vmem>>, vector<8192x128xi32>,
    return
  }
  func.func @transform_0(%arg0: i32) -> (i32, i32) {
    %c0_i32 = arith.constant 0 : i32
    %c0_i32_0 = arith.constant 0 : i32
    return %c0_i32, %arg0 : i32, i32
  }
  func.func @transform_1(%arg0: i32) -> (i32, i32) {
    %c0_i32 = arith.constant 0 : i32
    %c0_i32_0 = arith.constant 0 : i32
    return %c0_i32, %arg0 : i32, i32
  }
  func.func @transform_2(%arg0: i32) -> (i32, i32) {
    %c0_i32 = arith.constant 0 : i32
    %c0_i32_0 = arith.constant 0 : i32
    return %c0_i32, %arg0 : i32, i32
  }
  func.func @transform_3(%arg0: i32) -> (i32, i32) {
    %c0_i32 = arith.constant 0 : i32
    %c0_i32_0 = arith.constant 0 : i32
    return %c0_i32, %arg0 : i32, i32
  }
  func.func @transform_4(%arg0: i32) -> (i32, i32) {
    %c0_i32 = arith.constant 0 : i32
    %c0_i32_0 = arith.constant 0 : i32
    return %arg0, %c0_i32 : i32, i32
  }
}

</mosaic_0001>

<sc_bundles>
// kernel: kernel.5.cloned.1.call-start
scs
__scs_entry_jumppad:
0x0: {  	(pc) =	sbr.rel $0x88, $3  }
0x1: {  	(tag) =	ssettag $0x0;
	lr =	simm.s32 $0x1  }
0x2: {  	[smem:$0x3F97] =	sst lr;
	_ =	strace $0xD0000000  }
0x3: {  	_ = 	snop  }
0x4: {  	_ = 	snop  }
0x5: {  	_ = 	snop  }
0x6: {  	_ = 	snop  }
0x7: {  	_ = 	snop  }
__scs_overlays_trampoline_lowered:
0x8: {  	[smem:$0x3FA6] =	sst s0  }
0x9: {  	[smem:$0x3FA7] =	sst s1  }
0xa: {  	[smem:$0x3FA8] =	sst s2  }
0xb: {  	[smem:$0x3FA9] =	sst s3  }
0xc: {  	[smem:$0x3FAA] =	sst s4  }
0xd: {  	[smem:$0x3FAB] =	sst s5  }
0xe: {  	[smem:$0x3FAC] =	sst s6  }
0xf: {  	[smem:$0x3FAD] =	sst s7  }
0x10: {  	[smem:$0x3FAE] =	sst s8  }
0x11: {  	[smem:$0x3FAF] =	sst s9;
	s0 =	simm.s32 @!p0 $0x0  }
0x12: {  	s1 =	sld [smem:$0x3F95];
	s0 =	simm.s32 @p0 $0x1  }
0x13: {  	[smem:$0x3FB0] =	sst s0;
	s0 =	simm.s32 @!p1 $0x0  }
0x14: {  	s2 =	sld [smem:$0x3F94];
	s0 =	simm.s32 @p1 $0x1  }
0x15: {  	[smem:$0x3FB1] =	sst s0;
	s0 =	simm.s32 @!p2 $0x0  }
0x16: {  	s3 =	sld [smem:$0x3FDB];
	s0 =	simm.s32 @p2 $0x1  }
0x17: {  	s4 =	simm.s32 $0x1BF5;
	[smem:$0x3FB3] =	sst s0  }
0x18: {  	s0 =	sld [smem:$0x3F96];
	_ =	swait.ge [sflag:s4], $0x0  }
0x19: {  	s7 =	sld [smem:$0x3F97]  }
0x1a: {  	s8 =	sadd.s32 $0xFFFFE003, lr  }
0x1b: {  	s9 =	sadd.s32 $0xFFFFFEF7, lr;
	s5 =	simm.s32 $0xFFFFFFFF;
	p2 =	slt.u32 s8, $0xFFFFF086  }
0x1c: {  	p1 =	slt.u32 s9, $0xF7A;
	s5 =	simm.s32 @!p2 $0x0  }
0x1d: {  	s5 =	simm.s32 @p1 $0x1;
	p0 =	seq.s32 s7, s2  }
0x1e: {  	s7 =	smul.u32 @!p0 $0xF7A, s2;
	p2 =	seq.s32 @!p0 s5, $0x0  }
0x1f: {  	s9 =	smul.u32 $0xF7A, s1;
	s8 =	simm.s32 @!p0 $0x1BF5;
	p2 =	por !p2, p0  }
0x20: {  	[sflag:s8] =	ssyncset.s32 @!p0 $0xFFFFF086;
	s6 =	sadd.s32 @!p0 s3, s7;
	s7 =	simm.s32 @!p0 $0x108  }
0x21: {  	s3 =	sadd.s32 s3, s9;
	s6 =	sadd.s32 @!p0 $0x88, s6;
	s7 =	simm.s32 @p2 $0x1082  }
0x22: {  	[simem:s7], [sflag:s8] =	dma.local @!p0 [hbm:s6], $0xF7A  }
0x23: {  	s9 =	sor.u32 $0xD0000000, s2;
	s6 =	simm.s32 $0x108;
	_ =	swait.ge @!p0 [sflag:s8], $0x0  }
0x24: {  	s3 =	sadd.s32 $0x88, s3;
	s6 =	simm.s32 @!p1 $0x1082;
	[sflag:s4] =	ssyncset.s32 $0xFFFFF086  }
0x25: {  	[simem:s6], [sflag:s4] =	dma.local [hbm:s3], $0xF7A  }
0x26: {  	[smem:$0x3F97] =	sst s1;
	(tag) =	ssettag s2;
	_ =	strace s9  }
0x27: {  	s1 =	sld [smem:$0x3FA7]  }
0x28: {  	s2 =	sld [smem:$0x3FA8]  }
0x29: {  	s4 =	sld [smem:$0x3FAA]  }
0x2a: {  	p0 =	seq.s32 s5, $0x0;
	s5 =	sld [smem:$0x3FAB]  }
0x2b: {  	s6 =	sld [smem:$0x3FAC]  }
0x2c: {  	s7 =	sld [smem:$0x3FAD]  }
0x2d: {  	s3 =	simm.s32 $0x108;
	s8 =	sld [smem:$0x3FAE]  }
0x2e: {  	s3 =	simm.s32 @!p0 $0x1082;
	s9 =	sld [smem:$0x3FAF]  }
0x2f: {  	lr =	sadd.s32 s0, s3;
	s0 =	sld [smem:$0x3FA6]  }
0x30: {  	s3 =	sld [smem:$0x3FA9]  }
0x31: {  	[smem:$0x3FB2] =	sst s10  }
0x32: {  	s10 =	sld [smem:$0x3FB0];
	_ =	sdelay $0x3  }
0x33: {  	p0 =	seq.s32 s10, $0x1;
	s10 =	sld [smem:$0x3FB2];
	_ =	sdelay $0x3  }
0x34: {  	[smem:$0x3FB2] =	sst s10  }
0x35: {  	s10 =	sld [smem:$0x3FB1];
	_ =	sdelay $0x3  }
0x36: {  	p1 =	seq.s32 s10, $0x1;
	s10 =	sld [smem:$0x3FB2];
	_ =	sdelay $0x3  }
0x37: {  	[smem:$0x3FB2] =	sst s10  }
0x38: {  	s10 =	sld [smem:$0x3FB3]  }
0x39: {  	_ = 	snop;
	(pc) =	sbr.ind lr, $3  }
0x3a: {  	_ = 	snop  }
0x3b: {  	_ = 	snop  }
0x3c: {  	p2 =	seq.s32 s10, $0x1;
	s10 =	sld [smem:$0x3FB2]  }
0x3d: {  	_ =	shalt  }
0x3e: {  	_ =	shalt  }
0x3f: {  	_ =	shalt  }
0x40: {  	_ =	shalt  }
0x41: {  	_ =	shalt  }
0x42: {  	_ =	shalt  }
0x43: {  	_ =	shalt  }
0x44: {  	_ =	shalt  }
0x45: {  	_ =	shalt  }
0x46: {  	_ =	shalt  }
0x47: {  	_ =	shalt  }
0x48: {  	_ =	shalt  }
0x49: {  	_ =	shalt  }
0x4a: {  	_ =	shalt  }
0x4b: {  	_ =	shalt  }
0x4c: {  	_ =	shalt  }
0x4d: {  	_ =	shalt  }
0x4e: {  	_ =	shalt  }
0x4f: {  	_ =	shalt  }
0x50: {  	_ =	shalt  }
0x51: {  	_ =	shalt  }
0x52: {  	_ =	shalt  }
0x53: {  	_ =	shalt  }
0x54: {  	_ =	shalt  }
0x55: {  	_ =	shalt  }
0x56: {  	_ =	shalt  }
0x57: {  	_ =	shalt  }
0x58: {  	_ =	shalt  }
0x59: {  	_ =	shalt  }
0x5a: {  	_ =	shalt  }
0x5b: {  	_ =	shalt  }
0x5c: {  	_ =	shalt  }
0x5d: {  	_ =	shalt  }
0x5e: {  	_ =	shalt  }
0x5f: {  	_ =	shalt  }
0x60: {  	_ =	shalt  }
0x61: {  	_ =	shalt  }
0x62: {  	_ =	shalt  }
0x63: {  	_ =	shalt  }
0x64: {  	_ =	shalt  }
0x65: {  	_ =	shalt  }
0x66: {  	_ =	shalt  }
0x67: {  	_ =	shalt  }
0x68: {  	_ =	shalt  }
0x69: {  	_ =	shalt  }
0x6a: {  	_ =	shalt  }
0x6b: {  	_ =	shalt  }
0x6c: {  	_ =	shalt  }
0x6d: {  	_ =	shalt  }
0x6e: {  	_ =	shalt  }
0x6f: {  	_ =	shalt  }
0x70: {  	_ =	shalt  }
0x71: {  	_ =	shalt  }
0x72: {  	_ =	shalt  }
0x73: {  	_ =	shalt  }
0x74: {  	_ =	shalt  }
0x75: {  	_ =	shalt  }
0x76: {  	_ =	shalt  }
0x77: {  	_ =	shalt  }
0x78: {  	_ =	shalt  }
0x79: {  	_ =	shalt  }
0x7a: {  	_ =	shalt  }
0x7b: {  	_ =	shalt  }
0x7c: {  	_ =	shalt  }
0x7d: {  	_ =	shalt  }
0x7e: {  	_ =	shalt  }
0x7f: {  	_ =	shalt  }
0x80: {  	_ =	shalt  }
0x81: {  	_ =	shalt  }
0x82: {  	_ =	shalt  }
0x83: {  	_ =	shalt  }
0x84: {  	_ =	shalt  }
0x85: {  	_ =	shalt  }
0x86: {  	_ =	shalt  }
0x87: {  	_ =	shalt  }
.Lfunc_end0:
.L_simem_size_0:
called_computation_lowered:
.L_overlay_start_0:
0x88: {  	s2 =	sld [smem:$0x3FD9]  }
0x89: {  	s3 =	sld [smem:$0x3FFE];
	_ =	sdelay $0x1  }
0x8a: {  	s1 =	srdreg.scid  }
0x8b: {  	s0 =	sand.u32 $0x1, s1  }
0x8c: {  	s17 =	sshll.u32 s0, $0xA;
	s2 =	sadd.s32 s3, s2  }
0x8d: {  	s2 =	sadd.s32 s2, s17  }
0x8e: {  	[smem:$0x3FBE] =	sst s2  }
0x8f: {  	_ = 	snop  }
0x90: {  	s2 =	sld [smem:$0x3FC9]  }
0x91: {  	s18 =	sld [smem:$0x3FC8];
	(tm) =	ssettm $0x1  }
0x92: {  	s4 =	sld [smem:$0x3FFB];
	_ =	sdelay $0x3  }
0x93: {  	_ =	strace s4  }
0x94: {  	s4 =	sld [smem:$0x3FFC];
	_ =	sdelay $0x3  }
0x95: {  	_ =	strace s4  }
0x96: {  	s4 =	sld [smem:$0x3FFD];
	_ =	sdelay $0x3  }
0x97: {  	_ =	strace s4  }
0x98: {  	_ =	strace $0x8FFFFFFF  }
0x99: {  	s19 =	sld [smem:$0x3FDB];
	_ =	sdelay $0x1  }
0x9a: {  	s5 =	simm.s32 $_scs_section_size  }
0x9b: {  	s6 =	simm.s32 $_size__tile_overlayer_lowered;
	s7 =	simm.s32 $_tile_overlayer_lowered  }
0x9c: {  	s22 =	simm.s32 $0x1BFF;
	s21 =	sshll.u32 s7, $0x1;
	s4 =	sadd.s32 s5, s19  }
0x9d: {  	s8 =	simm.s32 $0x0;
	s20 =	sshll.u32 s6, $0x1;
	s6 =	sadd.s32 s21, s4  }
0x9e: {  	[timem:s8], [sflag:s22] =	dma.local [hbm:s6], s20  }
0x9f: {  	_ =	swait.ge [sflag:s22], s20  }
0xa0: {  	s5 =	ssub.s32 $0x0, s20;
	[sflag:s22] =	ssyncset.done $0x0  }
0xa1: {  	[sflag:s22] =	ssyncadd.s32 s5;
	_ =	sdelay $0x1  }
0xa2: {  	s23 =	simm.s32 $0x1B8B  }
0xa3: {  	_ =	swait.ge [sflag:s23], $0x1  }
0xa4: {  	[sflag:s23] =	ssyncset.done $0x0  }
0xa5: {  	s25 =	simm.s32 $0x1B8E;
	s24 =	sld [smem:$0x3FFE];
	[sflag:s23] =	ssyncadd.s32 $0xFFFFFFFF  }
0xa6: {  	s26 =	simm.s32 $execute0_lowered;
	[smem:$0x3FD2] =	sst s25  }
0xa7: {  	s6 =	sshll.u32 s26, $0x1;
	_ =	strace $0x80000046;
	[dreg:$0x1] =	wrdreg $0xFFFFFFFF  }
0xa8: {  	s28 =	simm.s32 $_size_execute0_lowered;
	s4 =	sadd.s32 s4, s6;
	[dreg:$0x0] =	wrdreg $0x0  }
0xa9: {  	s6 =	sshll.u32 s28, $0x1;
	[dreg:$0x2] =	wrdreg s4  }
0xaa: {  	[dreg:$0x3] =	wrdreg s6  }
0xab: {  	[dreg:$0x4] =	wrdreg $0xC0  }
0xac: {  	_ =	task [dreg:s8], $0x5FFFF  }
0xad: {  	[dreg:$0x1] =	wrdreg $0xFFFFFFFF  }
0xae: {  	[dreg:$0x0] =	wrdreg $0x60  }
0xaf: {  	[dreg:$0x2] =	wrdreg s2  }
0xb0: {  	[dreg:$0x3] =	wrdreg s18  }
0xb1: {  	[dreg:$0x4] =	wrdreg s24  }
0xb2: {  	[dreg:$0x5] =	wrdreg $0x9  }
0xb3: {  	_ =	task.clear_ibuf [dreg:s8], $0x6FFFF;
	_ =	strace $0x90000046  }
0xb4: {  	s29 =	simm.s32 $0x9;
	_ =	strace $0x80000048  }
0xb5: {  	_ =	swait.ge [sflag:s29], $0x1  }
0xb6: {  	[sflag:s29] =	ssyncadd.s32 $0xFFFFFFFF  }
0xb7: {  	_ =	strace $0x90000048  }
0xb8: {  	_ =	sfence  }
0xb9: {  	s30 =	sld [smem:$0x0];
	_ =	sdelay $0x2  }
0xba: {  	s31 =	sshll.u32 s1, $0xD;
	s1 =	sshrl.u32 s1, $0x2  }
0xbb: {  	s3 =	sand.u32 $0x4000, s31;
	s1 =	sadd.s32 s1, s30  }
0xbc: {  	s0 =	sor.u32 s3, s0;
	s1 =	sshll.u32 s1, $0x11  }
0xbd: {  	s0 =	sor.u32 s1, s0  }
0xbe: {  	s0 =	sadd.s32 $0x8F2B, s0  }
0xbf: {  	[sflag:s0] =	ssyncadd.remote.s32 $0x1  }
0xc0: {  	_ =	sfence.sel $0xFFFF  }
0xc1: {  	[dreg:$0x0] =	wrdreg $0xFFFFFFFF;
	(pc) =	sbr.abs _section_cstart, $3  }
0xc2: {  	[dreg:$0x1] =	wrdreg $0xFFFFFFFF  }
0xc3: {  	_ =	task.clear_ibuf [dreg:s8], $0x2FFFF;
	_ =	strace $0x9FFFFFFF  }
0xc4: {  	(tm) =	ssettm $0x7FFFFFFF  }
0xc5: {  	_ =	shalt  }
tec
execute0_lowered:
.L_overlay_start_1:
0x0: {  	(tag) =	ssettag $0x1  }
0x1: {  	s3 =	rddreg [dreg:$0x0];
	s1 =	srdreg.scid  }
0x2: {  	s5 =	rddreg [dreg:$0x1];
	s0 =	stileid.u32;
	s26 =	sand.u32 $0x1, s1  }
0x3: {  	s16 =	rddreg [dreg:$0x2];
	s4 =	sshll.u32 s0, $0xA;
	s6 =	sshll.u32 s26, $0x9  }
0x4: {  	s2 =	simm.s32 $0x0;
	s1 =	rddreg [dreg:$0x3];
	s15 =	sor.u32 s6, s4  }
0x5: {  	[smem:$0x7FF] =	sst s2;
	s6 =	sshrl.u32 s15, $0x3  }
0x6: {  	_ =	strace $0x80000047;
	s4 =	sadd.s32 s3, s6;
	s3 =	simm.s32 $0x3  }
0x7: {  	[tilespmem:s2], [sflag:$0x3] =	stream.linear.gather [hbm4b:s4+s2], $0x200, $0x38;
	[tilespmem:$0x10400] =	vst v63  }
0x8: {  	_ =	swait.ge [sflag:s3], $0x200  }
0x9: {  	[sflag:s3] =	ssyncset.done $0x0  }
0xa: {  	s5 =	sadd.s32 s5, s6;
	s6 =	simm.s32 $0x200;
	[sflag:s3] =	ssyncadd.s32 $0xFFFFFE00  }
0xb: {  	[tilespmem:s6], [sflag:$0x3] =	stream.linear.gather [hbm4b:s5+s2], $0x200, $0x38;
	[tilespmem:$0x10400] =	vst v63  }
0xc: {  	_ =	swait.ge [sflag:s3], $0x200  }
0xd: {  	s8 =	simm.s32 $0x80;
	[sflag:s3] =	ssyncset.done $0x0  }
0xe: {  	s9 =	simm.s32 $0x400;
	s7 =	sadd.s32 $0x1400, s16;
	[sflag:s3] =	ssyncadd.s32 $0xFFFFFE00  }
0xf: {  	[tilespmem:s9], [sflag:$0x1] =	stream.indirect.gather [hbm4b:s7+s8], $0x80, s2, s8, $0xb8;
	[tilespmem:$0x10400] =	vst v63  }
0x10: {  	s10 =	simm.s32 $0x8400  }
0x11: {  	[tilespmem:s10], [sflag:$0x1] =	stream.indirect.gather [hbm4b:s7+s8], $0x80, s6, s8, $0xb8;
	[tilespmem:$0x10400] =	vst v63  }
0x12: {  	s11 =	simm.s32 $0x4400  }
0x13: {  	[tilespmem:s11], [sflag:$0x2] =	stream.indirect.gather [hbm4b:s7+s8], $0x80, s8, s8, $0xb8;
	[tilespmem:$0x10400] =	vst v63  }
0x14: {  	s12 =	simm.s32 $0x280;
	s13 =	simm.s32 $0xC400;
	s14 =	simm.s32 $0x1  }
0x15: {  	[tilespmem:s13], [sflag:$0x2] =	stream.indirect.gather [hbm4b:s7+s8], $0x80, s12, s8, $0xb8;
	[tilespmem:$0x10400] =	vst v63  }
0x16: {  	_ =	swait.ge [sflag:s14], $0x4000  }
0x17: {  	[sflag:s14] =	ssyncset.done $0x0  }
0x18: {  	[sflag:s14] =	ssyncadd.s32 $0xFFFFC000  }
0x19: {  	_ =	swait.ge [sflag:s14], $0x4000  }
0x1a: {  	s28 =	sadd.s32 $0x187E00, s16;
	s30 =	sshll.u32 s15, $0x4;
	[sflag:s14] =	ssyncset.done $0x0  }
0x1b: {  	s15 =	sadd.s32 s28, s30;
	[sflag:s14] =	ssyncadd.s32 $0xFFFFC000  }
0x1c: {  	[hbm4b:s15+s2] =	stream.linear.scatter [tilespmem:s9], [sflag:$0x3], $0x4000, $0x38;
	[tilespmem:$0x10400] =	vst v63  }
0x1d: {  	_ =	swait.ge [sflag:s3], $0x4000  }
0x1e: {  	s29 =	sadd.s32 $0x1C7E00, s16;
	[sflag:s3] =	ssyncset.done $0x0  }
0x1f: {  	s16 =	sadd.s32 s29, s30;
	[sflag:s3] =	ssyncadd.s32 $0xFFFFC000  }
0x20: {  	[hbm4b:s16+s2] =	stream.linear.scatter [tilespmem:s10], [sflag:$0x3], $0x4000, $0x38;
	[tilespmem:$0x10400] =	vst v63  }
0x21: {  	_ =	swait.ge [sflag:s3], $0x4000  }
0x22: {  	[sflag:s3] =	ssyncset.done $0x0  }
0x23: {  	s17 =	simm.s32 $0x100;
	[sflag:s3] =	ssyncadd.s32 $0xFFFFC000  }
0x24: {  	[tilespmem:s9], [sflag:$0x1] =	stream.indirect.gather [hbm4b:s7+s8], $0x80, s17, s8, $0xb8;
	[tilespmem:$0x10400] =	vst v63  }
0x25: {  	s18 =	simm.s32 $0x300;
	s19 =	simm.s32 $0x2  }
0x26: {  	[tilespmem:s10], [sflag:$0x1] =	stream.indirect.gather [hbm4b:s7+s8], $0x80, s18, s8, $0xb8;
	[tilespmem:$0x10400] =	vst v63  }
0x27: {  	_ =	swait.ge [sflag:s19], $0x4000  }
0x28: {  	[sflag:s19] =	ssyncset.done $0x0  }
0x29: {  	[sflag:s19] =	ssyncadd.s32 $0xFFFFC000  }
0x2a: {  	_ =	swait.ge [sflag:s19], $0x4000  }
0x2b: {  	s21 =	sor.u32 $0x800, s30;
	[sflag:s19] =	ssyncset.done $0x0  }
0x2c: {  	s20 =	sadd.s32 s28, s21;
	[sflag:s19] =	ssyncadd.s32 $0xFFFFC000  }
0x2d: {  	[hbm4b:s20+s2] =	stream.linear.scatter [tilespmem:s11], [sflag:$0x3], $0x4000, $0x38;
	[tilespmem:$0x10400] =	vst v63  }
0x2e: {  	_ =	swait.ge [sflag:s3], $0x4000  }
0x2f: {  	[sflag:s3] =	ssyncset.done $0x0  }
0x30: {  	s21 =	sadd.s32 s29, s21;
	[sflag:s3] =	ssyncadd.s32 $0xFFFFC000  }
0x31: {  	[hbm4b:s21+s2] =	stream.linear.scatter [tilespmem:s13], [sflag:$0x3], $0x4000, $0x38;
	[tilespmem:$0x10400] =	vst v63  }
0x32: {  	_ =	swait.ge [sflag:s3], $0x4000  }
0x33: {  	[sflag:s3] =	ssyncset.done $0x0  }
0x34: {  	s22 =	simm.s32 $0x180;
	[sflag:s3] =	ssyncadd.s32 $0xFFFFC000  }
0x35: {  	[tilespmem:s11], [sflag:$0x2] =	stream.indirect.gather [hbm4b:s7+s8], $0x80, s22, s8, $0xb8;
	[tilespmem:$0x10400] =	vst v63  }
0x36: {  	s23 =	simm.s32 $0x380  }
0x37: {  	[tilespmem:s13], [sflag:$0x2] =	stream.indirect.gather [hbm4b:s7+s8], $0x80, s23, s8, $0xb8;
	[tilespmem:$0x10400] =	vst v63  }
0x38: {  	_ =	swait.ge [sflag:s14], $0x4000  }
0x39: {  	[sflag:s14] =	ssyncset.done $0x0  }
0x3a: {  	[sflag:s14] =	ssyncadd.s32 $0xFFFFC000  }
0x3b: {  	_ =	swait.ge [sflag:s14], $0x4000  }
0x3c: {  	s25 =	sor.u32 $0x1000, s30;
	[sflag:s14] =	ssyncset.done $0x0  }
0x3d: {  	s24 =	sadd.s32 s28, s25;
	[sflag:s14] =	ssyncadd.s32 $0xFFFFC000  }
0x3e: {  	[hbm4b:s24+s2] =	stream.linear.scatter [tilespmem:s9], [sflag:$0x3], $0x4000, $0x38;
	[tilespmem:$0x10400] =	vst v63  }
0x3f: {  	_ =	swait.ge [sflag:s3], $0x4000  }
0x40: {  	[sflag:s3] =	ssyncset.done $0x0  }
0x41: {  	s25 =	sadd.s32 s29, s25;
	[sflag:s3] =	ssyncadd.s32 $0xFFFFC000  }
0x42: {  	[hbm4b:s25+s2] =	stream.linear.scatter [tilespmem:s10], [sflag:$0x3], $0x4000, $0x38;
	[tilespmem:$0x10400] =	vst v63  }
0x43: {  	_ =	swait.ge [sflag:s3], $0x4000  }
0x44: {  	[sflag:s3] =	ssyncset.done $0x0  }
0x45: {  	[sflag:s3] =	ssyncadd.s32 $0xFFFFC000  }
0x46: {  	_ =	swait.ge [sflag:s19], $0x4000  }
0x47: {  	[sflag:s19] =	ssyncset.done $0x0  }
0x48: {  	s31 =	ssub.s32 $0x2, s26;
	s30 =	sor.u32 $0x1800, s30;
	[sflag:s19] =	ssyncadd.s32 $0xFFFFC000  }
0x49: {  	s26 =	sadd.s32 s28, s30;
	s28 =	sshrl.u32 s31, $0x1;
	_ =	swait.ge [sflag:s19], $0x4000  }
0x4a: {  	s31 =	ssub.s32 s31, s28;
	[sflag:s19] =	ssyncset.done $0x0  }
0x4b: {  	s28 =	sadd.s32 s29, s30;
	s29 =	smax.u32 s31, $0x1;
	[sflag:s19] =	ssyncadd.s32 $0xFFFFC000  }
0x4c: {  	[hbm4b:s26+s2] =	stream.linear.scatter [tilespmem:s11], [sflag:$0x3], $0x4000, $0x38;
	[tilespmem:$0x10400] =	vst v63  }
0x4d: {  	p0 =	sne.s32 s29, $0x1;
	_ =	swait.ge [sflag:s3], $0x4000  }
.Ltmp0:
0x4e: {  	[sflag:s3] =	ssyncset.done $0x0;
	(pc) =	sbr.rel @!p0 .LBB2_2-.Ltmp0, $4  }
0x4f: {  	[sflag:s3] =	ssyncadd.s32 $0xFFFFC000  }
0x50: {  	[hbm4b:s28+s2] =	stream.linear.scatter [tilespmem:s13], [sflag:$0x3], $0x4000, $0x38;
	[tilespmem:$0x10400] =	vst v63  }
0x51: {  	_ =	swait.ge [sflag:s3], $0x4000  }
0x52: {  	s29 =	sadd.s32 $0xFFFFFFFF, s29;
	[sflag:s3] =	ssyncset.done $0x0  }
.LBB2_1:
0x53: {  	p0 =	sne.s32 s29, $0x1;
	s29 =	sadd.s32 $0xFFFFFFFF, s29;
	[sflag:s3] =	ssyncadd.s32 $0xFFFFC000  }
0x54: {  	[tilespmem:s2], [sflag:$0x3] =	stream.linear.gather [hbm4b:s4+s2], $0x200, $0x38;
	[tilespmem:$0x10400] =	vst v63  }
0x55: {  	_ =	swait.ge [sflag:s3], $0x200  }
0x56: {  	[sflag:s3] =	ssyncset.done $0x0  }
0x57: {  	[sflag:s3] =	ssyncadd.s32 $0xFFFFFE00  }
0x58: {  	[tilespmem:s6], [sflag:$0x3] =	stream.linear.gather [hbm4b:s5+s2], $0x200, $0x38;
	[tilespmem:$0x10400] =	vst v63  }
0x59: {  	_ =	swait.ge [sflag:s3], $0x200  }
0x5a: {  	[sflag:s3] =	ssyncset.done $0x0  }
0x5b: {  	[sflag:s3] =	ssyncadd.s32 $0xFFFFFE00  }
0x5c: {  	[tilespmem:s9], [sflag:$0x1] =	stream.indirect.gather [hbm4b:s7+s8], $0x80, s2, s8, $0xb8;
	[tilespmem:$0x10400] =	vst v63  }
0x5d: {  	_ = 	snop  }
0x5e: {  	[tilespmem:s10], [sflag:$0x1] =	stream.indirect.gather [hbm4b:s7+s8], $0x80, s6, s8, $0xb8;
	[tilespmem:$0x10400] =	vst v63  }
0x5f: {  	_ = 	snop  }
0x60: {  	[tilespmem:s11], [sflag:$0x2] =	stream.indirect.gather [hbm4b:s7+s8], $0x80, s8, s8, $0xb8;
	[tilespmem:$0x10400] =	vst v63  }
0x61: {  	_ = 	snop  }
0x62: {  	[tilespmem:s13], [sflag:$0x2] =	stream.indirect.gather [hbm4b:s7+s8], $0x80, s12, s8, $0xb8;
	[tilespmem:$0x10400] =	vst v63  }
0x63: {  	_ =	swait.ge [sflag:s14], $0x4000  }
0x64: {  	[sflag:s14] =	ssyncset.done $0x0  }
0x65: {  	[sflag:s14] =	ssyncadd.s32 $0xFFFFC000  }
0x66: {  	_ =	swait.ge [sflag:s14], $0x4000  }
0x67: {  	[sflag:s14] =	ssyncset.done $0x0  }
0x68: {  	[sflag:s14] =	ssyncadd.s32 $0xFFFFC000  }
0x69: {  	[hbm4b:s15+s2] =	stream.linear.scatter [tilespmem:s9], [sflag:$0x3], $0x4000, $0x38;
	[tilespmem:$0x10400] =	vst v63  }
0x6a: {  	_ =	swait.ge [sflag:s3], $0x4000  }
0x6b: {  	[sflag:s3] =	ssyncset.done $0x0  }
0x6c: {  	[sflag:s3] =	ssyncadd.s32 $0xFFFFC000  }
0x6d: {  	[hbm4b:s16+s2] =	stream.linear.scatter [tilespmem:s10], [sflag:$0x3], $0x4000, $0x38;
	[tilespmem:$0x10400] =	vst v63  }
0x6e: {  	_ =	swait.ge [sflag:s3], $0x4000  }
0x6f: {  	[sflag:s3] =	ssyncset.done $0x0  }
0x70: {  	[sflag:s3] =	ssyncadd.s32 $0xFFFFC000  }
0x71: {  	[tilespmem:s9], [sflag:$0x1] =	stream.indirect.gather [hbm4b:s7+s8], $0x80, s17, s8, $0xb8;
	[tilespmem:$0x10400] =	vst v63  }
0x72: {  	_ = 	snop  }
0x73: {  	[tilespmem:s10], [sflag:$0x1] =	stream.indirect.gather [hbm4b:s7+s8], $0x80, s18, s8, $0xb8;
	[tilespmem:$0x10400] =	vst v63  }
0x74: {  	_ =	swait.ge [sflag:s19], $0x4000  }
0x75: {  	[sflag:s19] =	ssyncset.done $0x0  }
0x76: {  	[sflag:s19] =	ssyncadd.s32 $0xFFFFC000  }
0x77: {  	_ =	swait.ge [sflag:s19], $0x4000  }
0x78: {  	[sflag:s19] =	ssyncset.done $0x0  }
0x79: {  	[sflag:s19] =	ssyncadd.s32 $0xFFFFC000  }
0x7a: {  	[hbm4b:s20+s2] =	stream.linear.scatter [tilespmem:s11], [sflag:$0x3], $0x4000, $0x38;
	[tilespmem:$0x10400] =	vst v63  }
0x7b: {  	_ =	swait.ge [sflag:s3], $0x4000  }
0x7c: {  	[sflag:s3] =	ssyncset.done $0x0  }
0x7d: {  	[sflag:s3] =	ssyncadd.s32 $0xFFFFC000  }
0x7e: {  	[hbm4b:s21+s2] =	stream.linear.scatter [tilespmem:s13], [sflag:$0x3], $0x4000, $0x38;
	[tilespmem:$0x10400] =	vst v63  }
0x7f: {  	_ =	swait.ge [sflag:s3], $0x4000  }
0x80: {  	[sflag:s3] =	ssyncset.done $0x0  }
0x81: {  	[sflag:s3] =	ssyncadd.s32 $0xFFFFC000  }
0x82: {  	[tilespmem:s11], [sflag:$0x2] =	stream.indirect.gather [hbm4b:s7+s8], $0x80, s22, s8, $0xb8;
	[tilespmem:$0x10400] =	vst v63  }
0x83: {  	_ = 	snop  }
0x84: {  	[tilespmem:s13], [sflag:$0x2] =	stream.indirect.gather [hbm4b:s7+s8], $0x80, s23, s8, $0xb8;
	[tilespmem:$0x10400] =	vst v63  }
0x85: {  	_ =	swait.ge [sflag:s14], $0x4000  }
0x86: {  	[sflag:s14] =	ssyncset.done $0x0  }
0x87: {  	[sflag:s14] =	ssyncadd.s32 $0xFFFFC000  }
0x88: {  	_ =	swait.ge [sflag:s14], $0x4000  }
0x89: {  	[sflag:s14] =	ssyncset.done $0x0  }
0x8a: {  	[sflag:s14] =	ssyncadd.s32 $0xFFFFC000  }
0x8b: {  	[hbm4b:s24+s2] =	stream.linear.scatter [tilespmem:s9], [sflag:$0x3], $0x4000, $0x38;
	[tilespmem:$0x10400] =	vst v63  }
0x8c: {  	_ =	swait.ge [sflag:s3], $0x4000  }
0x8d: {  	[sflag:s3] =	ssyncset.done $0x0  }
0x8e: {  	[sflag:s3] =	ssyncadd.s32 $0xFFFFC000  }
0x8f: {  	[hbm4b:s25+s2] =	stream.linear.scatter [tilespmem:s10], [sflag:$0x3], $0x4000, $0x38;
	[tilespmem:$0x10400] =	vst v63  }
0x90: {  	_ =	swait.ge [sflag:s3], $0x4000  }
0x91: {  	[sflag:s3] =	ssyncset.done $0x0  }
0x92: {  	[sflag:s3] =	ssyncadd.s32 $0xFFFFC000  }
0x93: {  	_ =	swait.ge [sflag:s19], $0x4000  }
0x94: {  	[sflag:s19] =	ssyncset.done $0x0  }
0x95: {  	[sflag:s19] =	ssyncadd.s32 $0xFFFFC000  }
0x96: {  	_ =	swait.ge [sflag:s19], $0x4000  }
0x97: {  	[sflag:s19] =	ssyncset.done $0x0  }
0x98: {  	[sflag:s19] =	ssyncadd.s32 $0xFFFFC000  }
0x99: {  	[hbm4b:s26+s2] =	stream.linear.scatter [tilespmem:s11], [sflag:$0x3], $0x4000, $0x38;
	[tilespmem:$0x10400] =	vst v63  }
0x9a: {  	_ =	swait.ge [sflag:s3], $0x4000  }
.Ltmp1:
0x9b: {  	[sflag:s3] =	ssyncset.done $0x0;
	(pc) =	sbr.rel @p0 .LBB2_1-.Ltmp1, $4  }
0x9c: {  	[sflag:s3] =	ssyncadd.s32 $0xFFFFC000  }
0x9d: {  	[hbm4b:s28+s2] =	stream.linear.scatter [tilespmem:s13], [sflag:$0x3], $0x4000, $0x38;
	[tilespmem:$0x10400] =	vst v63  }
0x9e: {  	_ =	swait.ge [sflag:s3], $0x4000  }
0x9f: {  	[sflag:s3] =	ssyncset.done $0x0  }
.LBB2_2:
0xa0: {  	[sflag:s3] =	ssyncadd.s32 $0xFFFFC000  }
0xa1: {  	_ =	sfence.sel $0x180000  }
0xa2: {  	[bflag:$0x0] =	sbarrier.arrive $0xFFFF  }
0xa3: {  	p0 =	sne.s32 s0, $0x0;
	_ =	strace $0x90000047  }
0xa4: {  	s0 =	sadd.s32 @!p0 $0x100000, s1;
	[bflag:$0x2] =	sbarrier.arrive $0xFFFF  }
0xa5: {  	[sflag:s0] =	ssyncadd.tile.s32 @!p0 $0x1;
	_ =	shalt  }
.Lfunc_end2:
_tile_overlayer_lowered:
.L_overlay_start_2:
0xa6: {  	(tag) =	ssettag $0x2  }
0xa7: {  	s0 =	rddreg [dreg:$0x0];
	s2 =	stileid.u32  }
0xa8: {  	s1 =	rddreg [dreg:$0x1];
	p0 =	sne.s32 s2, $0x0  }
0xa9: {  	s3 =	rddreg [dreg:$0x2];
	[bflag:$0x3] =	sbarrier.arrive $0xFFFF;
	s2 =	simm.s32 @!p0 $0x1C03  }
0xaa: {  	[timem:s3], [sflag:s2] =	dma.local @!p0 [hbm:s0], s1  }
0xab: {  	s0 =	simm.s32 @!p0 $0x3  }
0xac: {  	_ =	swait.ge @!p0 [sflag:s0], s1  }
0xad: {  	s1 =	ssub.s32 @!p0 $0x0, s1;
	[sflag:s0] =	ssyncset.done @!p0 $0x0  }
0xae: {  	[sflag:s0] =	ssyncadd.s32 @!p0 s1  }
0xaf: {  	[bflag:$0x3] =	sbarrier.arrive $0xFFFF  }
0xb0: {  	_ =	shalt  }

</sc_bundles>
